<compile_context>
chip_gen: v7x
topology: tpu7x:2x2x1
jax: 0.10.2.dev20260603
libtpu: 0.0.44.dev20260713+nightly
codegen_flags: <defaults>
</compile_context>

<pallas_src>
import functools

import jax
import jax.numpy as jnp
from jax import lax
from jax.experimental import pallas as pl
from jax.experimental.pallas import tpu as pltpu
from jax.experimental.pallas import tpu_sc as plsc

B, T = 4, 8
N = 192 * 56 * 56
ROWS = B * T
KEEP = min(N, max(int(N * 0.1), int(1)))

CHUNK = 10752
NCHUNK = N // CHUNK
VPC = CHUNK // 16
CAP_L = 2048
UNROLL = 8

_I32 = jnp.int32


def _row_kernel(x_hbm, out_hbm, in0, in1, hist, merged, cand,
                sem_i0, sem_i1, sem_o0):
    wid = lax.axis_index("s") * 2 + lax.axis_index("c")
    lane = lax.iota(_I32, 16)
    ones = jnp.ones((16,), _I32)
    zeros = jnp.zeros((16,), _I32)
    lane32k = lane + 32768

    def key_of(x):
        i = lax.bitcast_convert_type(x, _I32)
        return i ^ ((i >> 31) & _I32(0x7FFFFFFF))

    def in_copy(c, buf, sem):
        return pltpu.make_async_copy(
            x_hbm.at[wid, pl.ds(c * CHUNK, CHUNK)], buf, sem)

    def stream(compute, carry0):
        in_copy(0, in0, sem_i0).start()

        def pair(i, carry):
            c0 = i * 2
            in_copy(c0, in0, sem_i0).wait()
            in_copy(c0 + 1, in1, sem_i1).start()
            carry = compute(in0, carry)

            in_copy(c0 + 1, in1, sem_i1).wait()

            @pl.when(c0 + 2 < NCHUNK)
            def _prefetch():
                in_copy(c0 + 2, in0, sem_i0).start()
            return compute(in1, carry)
        return lax.fori_loop(0, NCHUNK // 2, pair, carry0)

    @plsc.parallel_loop(0, 4096, unroll=UNROLL)
    def _(v):
        hist[pl.ds(v * 16, 16)] = zeros

    def p1(buf, carry):
        @plsc.parallel_loop(0, VPC, unroll=UNROLL)
        def _(v):
            key = key_of(buf[pl.ds(v * 16, 16)])
            plsc.addupdate_scatter(hist, [((key >> 20) << 4) + lane32k], ones)
        return carry
    stream(p1, _I32(0))

    lane16 = lane * 16

    @plsc.parallel_loop(0, 256, unroll=2)
    def _(v):
        acc = zeros
        for j in range(16):
            acc = acc + plsc.load_gather(hist, [lane16 + (v * 256 + j)])
        merged[pl.ds(v * 16, 16)] = acc

    def scan(t, carry):
        acc, b_star, strictly_above = carry
        v = 255 - t
        vec = merged[pl.ds(v * 16, 16)]
        csum = plsc.cumsum(vec)
        s = jnp.sum(vec)
        abv = (acc + s) - csum
        suffix = abv + vec
        idxv = v * 16 + lane
        cand_b = jnp.max(jnp.where(suffix >= KEEP, idxv, -1))
        ca = jnp.max(jnp.where(idxv == cand_b, abv, 0))
        found = jnp.logical_and(acc < KEEP, acc + s >= KEEP)
        b_star = jnp.where(found, cand_b, b_star)
        strictly_above = jnp.where(found, ca, strictly_above)
        return acc + s, b_star, strictly_above

    _, b1, above = lax.fori_loop(0, 256, scan, (_I32(0), _I32(0), _I32(0)))
    bs_hi = b1 - 2048

    def p2(buf, slots):
        @plsc.parallel_loop(0, VPC, carry=slots, unroll=8)
        def slots(v, slots):
            key = key_of(buf[pl.ds(v * 16, 16)])
            match = jnp.logical_and((key >> 20) == bs_hi, slots < CAP_L)
            plsc.store_scatter(cand, [(slots << 4) + lane], key, mask=match)
            return slots + match.astype(_I32)
        return slots
    slots = stream(p2, zeros)

    keep2 = KEEP - above
    rmax = jnp.max(slots)
    lo0 = bs_hi << 20

    def bis(t, carry):
        lo, hi = carry
        mid = lo + ((hi - lo + 1) >> 1)

        @plsc.parallel_loop(0, rmax, unroll=8, carry=zeros)
        def acc(r, acc):
            key = cand[pl.ds(r * 16, 16)]
            valid = jnp.logical_and(key >= mid, r < slots)
            return acc + valid.astype(_I32)
        cnt = jnp.sum(acc)
        pred = cnt >= keep2
        return jnp.where(pred, mid, lo), jnp.where(pred, hi, mid - 1)

    k_star, _ = lax.fori_loop(0, 20, bis, (lo0, lo0 | _I32(0xFFFFF)))
    t_f32 = lax.bitcast_convert_type(
        jnp.where(k_star >= 0, k_star, k_star ^ _I32(0x7FFFFFFF)), jnp.float32)

    in0[pl.ds(0, 16)] = jnp.broadcast_to(t_f32, (16,))
    pltpu.make_async_copy(in0.at[pl.ds(0, 16)], out_hbm.at[pl.ds(wid * 16, 16)], sem_o0).start()
    pltpu.make_async_copy(in0.at[pl.ds(0, 16)], out_hbm.at[pl.ds(wid * 16, 16)], sem_o0).wait()


@jax.jit
def _topk_mask(flat):
    f = functools.partial(
        pl.kernel,
        mesh=plsc.VectorSubcoreMesh(core_axis_name="c", subcore_axis_name="s"),
        out_type=jax.ShapeDtypeStruct((ROWS * 16,), jnp.float32),
        compiler_params=pltpu.CompilerParams(needs_layout_passes=False),
        scratch_types=[
            pltpu.VMEM((CHUNK,), jnp.float32),
            pltpu.VMEM((CHUNK,), jnp.float32),
            pltpu.VMEM((4096 * 16,), _I32),
            pltpu.VMEM((4096,), _I32),
            pltpu.VMEM((CAP_L * 16,), _I32),
            pltpu.SemaphoreType.DMA,
            pltpu.SemaphoreType.DMA,
            pltpu.SemaphoreType.DMA,
        ],
    )(_row_kernel)
    return f(flat)


def kernel(scores, keep_ratio, min_keep):
    flat = scores.reshape(ROWS, N)
    thr = _topk_mask(flat).reshape(ROWS, 16)[:, 0].reshape(B, T, 1, 1, 1)
    return scores >= thr

# --- scband reference (transcript-rebuilt; emitter-appended) ---
"""Pipeline reference for scband-external-module-base-44487271252589 (READ-ONLY COPY).

The authoritative reference and input builder live on the scoring server;
editing this copy changes nothing except your own understanding.
"""

import jax, jax.numpy as jnp
import numpy as np


def setup_inputs(seed: int = 0) -> dict:
    key = jax.random.key(seed)
    scores = jax.random.normal(key, (4, 8, 192, 56, 56), dtype=jnp.float32)
    return {"scores": scores, "keep_ratio": 0.1, "min_keep": 1}


def reference(scores, keep_ratio, min_keep):
    # Faithful port of ExternalModuleBase._structured_topk_mask
    B, T = scores.shape[0], scores.shape[1]
    flat = scores.reshape(B, T, -1)
    N = flat.shape[-1]
    keep = min(N, max(int(N * 0.1), int(1)))
    zero = (jnp.asarray(keep_ratio) * 0 + jnp.asarray(min_keep) * 0).astype(flat.dtype)
    flat = flat + zero
    _, topk_idx = jax.lax.top_k(flat, keep)  # [B, T, keep]
    b = jnp.arange(B)[:, None, None]
    t = jnp.arange(T)[None, :, None]
    mask = jnp.zeros((B, T, N), dtype=jnp.bool_).at[b, t, topk_idx].set(True)
    return mask.reshape(scores.shape)

if __name__ == "__main__":
    import jax
    _d = setup_inputs()
    print(jax.jit(kernel)(*tuple(_d.values())))

</pallas_src>

<mosaic_0001>
#map = affine_map<(d0, d1) -> (0, 0)>
#map1 = affine_map<(d0, d1) -> (0)>
module attributes {stable_mosaic.version = 14 : i64} {
  func.func @_row_kernel(%arg0: i32, %arg1: i32, %arg2: memref<32x602112xf32, #tpu.memory_space<hbm>>, %arg3: memref<512xf32, #tpu.memory_space<hbm>>, %arg4: memref<10752xf32, #tpu.memory_space<vmem>>, %arg5: memref<10752xf32, #tpu.memory_space<vmem>>, %arg6: memref<65536xi32, #tpu.memory_space<vmem>>, %arg7: memref<4096xi32, #tpu.memory_space<vmem>>, %arg8: memref<32768xi32, #tpu.memory_space<vmem>>, %arg9: memref<!tpu.dma_semaphore, #tpu.memory_space<semaphore_mem>>, %arg10: memref<!tpu.dma_semaphore, #tpu.memory_space<semaphore_mem>>, %arg11: memref<!tpu.dma_semaphore, #tpu.memory_space<semaphore_mem>>) attributes {dimension_semantics = [#tpu.dimension_semantics<core_parallel>, #tpu.dimension_semantics<subcore_parallel>], iteration_bounds = array<i64: 2, 16>, scalar_prefetch = 0 : i64, scratch_operands = 8 : i64, tpu.core_type = #tpu.core_type<sc_vector_subcore>, window_params = [{transform_indices = #map}, {transform_indices = #map1}]} {
    %mul3A = arith.constant 2 : i32
    %mul3A_0 = arith.muli %arg1, %mul3A : i32
    %add3A = arith.addi %mul3A_0, %arg0 : i32
    %iota3A = tpu.iota {dimensions = array<i32: 0>} : vector<16xi32>
    %broadcast_in_dim3A = arith.constant 1 : i32
    %broadcast_in_dim3A_1 = vector.broadcast %broadcast_in_dim3A : i32 to vector<16xi32>
    %broadcast_in_dim3A_2 = arith.constant 0 : i32
    %broadcast_in_dim3A_3 = vector.broadcast %broadcast_in_dim3A_2 : i32 to vector<16xi32>
    %add3A_4 = arith.constant 32768 : i32
    %add3A_5 = vector.broadcast %add3A_4 : i32 to vector<16xi32>
    %add3A_6 = arith.addi %iota3A, %add3A_5 : vector<16xi32>
    %parallel_loop3A = arith.constant 0 : i32
    %parallel_loop3A_7 = arith.constant 4096 : i32
    %parallel_loop3A_8 = arith.constant 1 : i32
    scf.for %parallel_loop3A_83 = %parallel_loop3A to %parallel_loop3A_7 step %parallel_loop3A_8  : i32 {
      %parallel_loop3A_84 = arith.constant 16 : i32
      %parallel_loop3A_85 = arith.muli %parallel_loop3A_83, %parallel_loop3A_84 : i32
      %parallel_loop3A_86 = arith.index_cast %parallel_loop3A_85 : i32 to index
      %parallel_loop3A_87 = tpu.vector_load %arg6[%parallel_loop3A_86] {strides = array<i32>} : memref<65536xi32, #tpu.memory_space<vmem>>, vector<16xi32>,
      tpu.vector_store %arg6[%parallel_loop3A_86], %broadcast_in_dim3A_3 {strides = array<i32>} : memref<65536xi32, #tpu.memory_space<vmem>>, vector<16xi32>,
    } {sc.loop_unroll_factor = 8 : i64, sc.parallel_access}
    %dma_start3A = arith.constant 0 : i32
    %dma_start3A_9 = tpu.memref_slice %arg2[%add3A, %dma_start3A] : memref<32x602112xf32, #tpu.memory_space<hbm>> -> memref<1x10752xf32, #tpu.memory_space<hbm>>
    %dma_start3A_10 = tpu.memref_squeeze %dma_start3A_9 : memref<1x10752xf32, #tpu.memory_space<hbm>> -> memref<10752xf32, #tpu.memory_space<hbm>>
    %dma_start3A_11 = arith.constant 0 : i32
    %dma_start3A_12 = tpu.memref_slice %arg2[%add3A, %dma_start3A_11] : memref<32x602112xf32, #tpu.memory_space<hbm>> -> memref<1x10752xf32, #tpu.memory_space<hbm>>
    %dma_start3A_13 = tpu.memref_squeeze %dma_start3A_12 : memref<1x10752xf32, #tpu.memory_space<hbm>> -> memref<10752xf32, #tpu.memory_space<hbm>>
    tpu.enqueue_dma source(%dma_start3A_13 : memref<10752xf32, #tpu.memory_space<hbm>>) target(%arg4 : memref<10752xf32, #tpu.memory_space<vmem>>) target_semaphore(%arg9 : memref<!tpu.dma_semaphore, #tpu.memory_space<semaphore_mem>>)
    %scan3A = arith.constant 0 : i32
    %scan3A_14 = arith.constant 0 : i32
    %scan3A_15 = arith.constant 28 : i32
    %scan3A_16 = arith.addi %scan3A_14, %scan3A_15 : i32
    %scan3A_17 = arith.constant 1 : i32
    scf.for %scan3A_83 = %scan3A_14 to %scan3A_16 step %scan3A_17  : i32 {
      %mul3A_84 = arith.constant 2 : i32
      %mul3A_85 = arith.muli %scan3A_83, %mul3A_84 : i32
      %mul3A_86 = arith.constant 10752 : i32
      %mul3A_87 = arith.muli %mul3A_85, %mul3A_86 : i32
      %dma_wait3A_88 = tpu.memref_slice %arg2[%add3A, %mul3A_87] : memref<32x602112xf32, #tpu.memory_space<hbm>> -> memref<1x10752xf32, #tpu.memory_space<hbm>>
      %dma_wait3A_89 = tpu.memref_squeeze %dma_wait3A_88 : memref<1x10752xf32, #tpu.memory_space<hbm>> -> memref<10752xf32, #tpu.memory_space<hbm>>
      %dma_wait3A_90 = tpu.memref_slice %arg2[%add3A, %mul3A_87] : memref<32x602112xf32, #tpu.memory_space<hbm>> -> memref<1x10752xf32, #tpu.memory_space<hbm>>
      %dma_wait3A_91 = tpu.memref_squeeze %dma_wait3A_90 : memref<1x10752xf32, #tpu.memory_space<hbm>> -> memref<10752xf32, #tpu.memory_space<hbm>>
      tpu.wait_dma2 semaphore(%arg9 : memref<!tpu.dma_semaphore, #tpu.memory_space<semaphore_mem>>) src(%dma_wait3A_91 : memref<10752xf32, #tpu.memory_space<hbm>>) dst(%arg4 : memref<10752xf32, #tpu.memory_space<vmem>>)
      %add3A_92 = arith.constant 1 : i32
      %add3A_93 = arith.addi %mul3A_85, %add3A_92 : i32
      %mul3A_94 = arith.constant 10752 : i32
      %mul3A_95 = arith.muli %add3A_93, %mul3A_94 : i32
      %dma_start3A_96 = tpu.memref_slice %arg2[%add3A, %mul3A_95] : memref<32x602112xf32, #tpu.memory_space<hbm>> -> memref<1x10752xf32, #tpu.memory_space<hbm>>
      %dma_start3A_97 = tpu.memref_squeeze %dma_start3A_96 : memref<1x10752xf32, #tpu.memory_space<hbm>> -> memref<10752xf32, #tpu.memory_space<hbm>>
      %dma_start3A_98 = tpu.memref_slice %arg2[%add3A, %mul3A_95] : memref<32x602112xf32, #tpu.memory_space<hbm>> -> memref<1x10752xf32, #tpu.memory_space<hbm>>
      %dma_start3A_99 = tpu.memref_squeeze %dma_start3A_98 : memref<1x10752xf32, #tpu.memory_space<hbm>> -> memref<10752xf32, #tpu.memory_space<hbm>>
      tpu.enqueue_dma source(%dma_start3A_99 : memref<10752xf32, #tpu.memory_space<hbm>>) target(%arg5 : memref<10752xf32, #tpu.memory_space<vmem>>) target_semaphore(%arg10 : memref<!tpu.dma_semaphore, #tpu.memory_space<semaphore_mem>>)
      %parallel_loop3A_100 = arith.constant 0 : i32
      %parallel_loop3A_101 = arith.constant 672 : i32
      %parallel_loop3A_102 = arith.constant 1 : i32
      scf.for %parallel_loop3A_118 = %parallel_loop3A_100 to %parallel_loop3A_101 step %parallel_loop3A_102  : i32 {
        %parallel_loop3A_119 = arith.constant 16 : i32
        %parallel_loop3A_120 = arith.muli %parallel_loop3A_118, %parallel_loop3A_119 : i32
        %parallel_loop3A_121 = arith.index_cast %parallel_loop3A_120 : i32 to index
        %parallel_loop3A_122 = tpu.vector_load %arg4[%parallel_loop3A_121] {strides = array<i32>} : memref<10752xf32, #tpu.memory_space<vmem>>, vector<16xf32>,
        %parallel_loop3A_123 = tpu.bitcast %parallel_loop3A_122 : vector<16xf32> -> vector<16xi32>
        %parallel_loop3A_124 = arith.constant 31 : i32
        %parallel_loop3A_125 = vector.broadcast %parallel_loop3A_124 : i32 to vector<16xi32>
        %parallel_loop3A_126 = arith.shrsi %parallel_loop3A_123, %parallel_loop3A_125 : vector<16xi32>
        %parallel_loop3A_127 = arith.constant 2147483647 : i32
        %parallel_loop3A_128 = vector.broadcast %parallel_loop3A_127 : i32 to vector<16xi32>
        %parallel_loop3A_129 = arith.andi %parallel_loop3A_126, %parallel_loop3A_128 : vector<16xi32>
        %parallel_loop3A_130 = arith.xori %parallel_loop3A_123, %parallel_loop3A_129 : vector<16xi32>
        %parallel_loop3A_131 = arith.constant 20 : i32
        %parallel_loop3A_132 = vector.broadcast %parallel_loop3A_131 : i32 to vector<16xi32>
        %parallel_loop3A_133 = arith.shrsi %parallel_loop3A_130, %parallel_loop3A_132 : vector<16xi32>
        %parallel_loop3A_134 = arith.constant 4 : i32
        %parallel_loop3A_135 = vector.broadcast %parallel_loop3A_134 : i32 to vector<16xi32>
        %parallel_loop3A_136 = arith.shli %parallel_loop3A_133, %parallel_loop3A_135 : vector<16xi32>
        %parallel_loop3A_137 = arith.addi %parallel_loop3A_136, %add3A_6 : vector<16xi32>
        tpu.vector_store_idx %arg6[%parallel_loop3A_137], %broadcast_in_dim3A_1 {add = true} : memref<65536xi32, #tpu.memory_space<vmem>>[vector<16xi32>], vector<16xi32>,
      } {sc.loop_unroll_factor = 8 : i64, sc.parallel_access}
      %add3A_103 = arith.constant 1 : i32
      %add3A_104 = arith.addi %mul3A_85, %add3A_103 : i32
      %mul3A_105 = arith.constant 10752 : i32
      %mul3A_106 = arith.muli %add3A_104, %mul3A_105 : i32
      %dma_wait3A_107 = tpu.memref_slice %arg2[%add3A, %mul3A_106] : memref<32x602112xf32, #tpu.memory_space<hbm>> -> memref<1x10752xf32, #tpu.memory_space<hbm>>
      %dma_wait3A_108 = tpu.memref_squeeze %dma_wait3A_107 : memref<1x10752xf32, #tpu.memory_space<hbm>> -> memref<10752xf32, #tpu.memory_space<hbm>>
      %dma_wait3A_109 = tpu.memref_slice %arg2[%add3A, %mul3A_106] : memref<32x602112xf32, #tpu.memory_space<hbm>> -> memref<1x10752xf32, #tpu.memory_space<hbm>>
      %dma_wait3A_110 = tpu.memref_squeeze %dma_wait3A_109 : memref<1x10752xf32, #tpu.memory_space<hbm>> -> memref<10752xf32, #tpu.memory_space<hbm>>
      tpu.wait_dma2 semaphore(%arg10 : memref<!tpu.dma_semaphore, #tpu.memory_space<semaphore_mem>>) src(%dma_wait3A_110 : memref<10752xf32, #tpu.memory_space<hbm>>) dst(%arg5 : memref<10752xf32, #tpu.memory_space<vmem>>)
      %add3A_111 = arith.constant 2 : i32
      %add3A_112 = arith.addi %mul3A_85, %add3A_111 : i32
      %lt3A = arith.constant 56 : i32
      %lt3A_113 = arith.cmpi slt, %add3A_112, %lt3A : i32
      %convert_element_type3A = arith.extui %lt3A_113 : i1 to i32
      %cond3A = arith.constant 0 : i32
      %cond3A_114 = arith.cmpi ne, %convert_element_type3A, %cond3A : i32
      scf.if %cond3A_114 {
        %add3A_118 = arith.constant 2 : i32
        %add3A_119 = arith.addi %mul3A_85, %add3A_118 : i32
        %mul3A_120 = arith.constant 10752 : i32
        %mul3A_121 = arith.muli %add3A_119, %mul3A_120 : i32
        %dma_start3A_122 = tpu.memref_slice %arg2[%add3A, %mul3A_121] : memref<32x602112xf32, #tpu.memory_space<hbm>> -> memref<1x10752xf32, #tpu.memory_space<hbm>>
        %dma_start3A_123 = tpu.memref_squeeze %dma_start3A_122 : memref<1x10752xf32, #tpu.memory_space<hbm>> -> memref<10752xf32, #tpu.memory_space<hbm>>
        %dma_start3A_124 = tpu.memref_slice %arg2[%add3A, %mul3A_121] : memref<32x602112xf32, #tpu.memory_space<hbm>> -> memref<1x10752xf32, #tpu.memory_space<hbm>>
        %dma_start3A_125 = tpu.memref_squeeze %dma_start3A_124 : memref<1x10752xf32, #tpu.memory_space<hbm>> -> memref<10752xf32, #tpu.memory_space<hbm>>
        tpu.enqueue_dma source(%dma_start3A_125 : memref<10752xf32, #tpu.memory_space<hbm>>) target(%arg4 : memref<10752xf32, #tpu.memory_space<vmem>>) target_semaphore(%arg9 : memref<!tpu.dma_semaphore, #tpu.memory_space<semaphore_mem>>)
      } else {
      }
      %parallel_loop3A_115 = arith.constant 0 : i32
      %parallel_loop3A_116 = arith.constant 672 : i32
      %parallel_loop3A_117 = arith.constant 1 : i32
      scf.for %parallel_loop3A_118 = %parallel_loop3A_115 to %parallel_loop3A_116 step %parallel_loop3A_117  : i32 {
        %parallel_loop3A_119 = arith.constant 16 : i32
        %parallel_loop3A_120 = arith.muli %parallel_loop3A_118, %parallel_loop3A_119 : i32
        %parallel_loop3A_121 = arith.index_cast %parallel_loop3A_120 : i32 to index
        %parallel_loop3A_122 = tpu.vector_load %arg5[%parallel_loop3A_121] {strides = array<i32>} : memref<10752xf32, #tpu.memory_space<vmem>>, vector<16xf32>,
        %parallel_loop3A_123 = tpu.bitcast %parallel_loop3A_122 : vector<16xf32> -> vector<16xi32>
        %parallel_loop3A_124 = arith.constant 31 : i32
        %parallel_loop3A_125 = vector.broadcast %parallel_loop3A_124 : i32 to vector<16xi32>
        %parallel_loop3A_126 = arith.shrsi %parallel_loop3A_123, %parallel_loop3A_125 : vector<16xi32>
        %parallel_loop3A_127 = arith.constant 2147483647 : i32
        %parallel_loop3A_128 = vector.broadcast %parallel_loop3A_127 : i32 to vector<16xi32>
        %parallel_loop3A_129 = arith.andi %parallel_loop3A_126, %parallel_loop3A_128 : vector<16xi32>
        %parallel_loop3A_130 = arith.xori %parallel_loop3A_123, %parallel_loop3A_129 : vector<16xi32>
        %parallel_loop3A_131 = arith.constant 20 : i32
        %parallel_loop3A_132 = vector.broadcast %parallel_loop3A_131 : i32 to vector<16xi32>
        %parallel_loop3A_133 = arith.shrsi %parallel_loop3A_130, %parallel_loop3A_132 : vector<16xi32>
        %parallel_loop3A_134 = arith.constant 4 : i32
        %parallel_loop3A_135 = vector.broadcast %parallel_loop3A_134 : i32 to vector<16xi32>
        %parallel_loop3A_136 = arith.shli %parallel_loop3A_133, %parallel_loop3A_135 : vector<16xi32>
        %parallel_loop3A_137 = arith.addi %parallel_loop3A_136, %add3A_6 : vector<16xi32>
        tpu.vector_store_idx %arg6[%parallel_loop3A_137], %broadcast_in_dim3A_1 {add = true} : memref<65536xi32, #tpu.memory_space<vmem>>[vector<16xi32>], vector<16xi32>,
      } {sc.loop_unroll_factor = 8 : i64, sc.parallel_access}
    }
    %scan3A_18 = arith.constant 28 : i32
    %mul3A_19 = arith.constant 16 : i32
    %mul3A_20 = vector.broadcast %mul3A_19 : i32 to vector<16xi32>
    %mul3A_21 = arith.muli %iota3A, %mul3A_20 : vector<16xi32>
    %parallel_loop3A_22 = arith.constant 0 : i32
    %parallel_loop3A_23 = arith.constant 256 : i32
    %parallel_loop3A_24 = arith.constant 1 : i32
    scf.for %parallel_loop3A_83 = %parallel_loop3A_22 to %parallel_loop3A_23 step %parallel_loop3A_24  : i32 {
      %parallel_loop3A_84 = arith.constant 256 : i32
      %parallel_loop3A_85 = arith.muli %parallel_loop3A_83, %parallel_loop3A_84 : i32
      %parallel_loop3A_86 = arith.constant 0 : i32
      %parallel_loop3A_87 = arith.addi %parallel_loop3A_85, %parallel_loop3A_86 : i32
      %parallel_loop3A_88 = vector.broadcast %parallel_loop3A_87 : i32 to vector<16xi32>
      %parallel_loop3A_89 = arith.addi %mul3A_21, %parallel_loop3A_88 : vector<16xi32>
      %parallel_loop3A_90 = tpu.vector_load_idx %arg6[%parallel_loop3A_89] : memref<65536xi32, #tpu.memory_space<vmem>>[vector<16xi32>], vector<16xi32>,
      %parallel_loop3A_91 = arith.addi %broadcast_in_dim3A_3, %parallel_loop3A_90 : vector<16xi32>
      %parallel_loop3A_92 = arith.constant 256 : i32
      %parallel_loop3A_93 = arith.muli %parallel_loop3A_83, %parallel_loop3A_92 : i32
      %parallel_loop3A_94 = arith.constant 1 : i32
      %parallel_loop3A_95 = arith.addi %parallel_loop3A_93, %parallel_loop3A_94 : i32
      %parallel_loop3A_96 = vector.broadcast %parallel_loop3A_95 : i32 to vector<16xi32>
      %parallel_loop3A_97 = arith.addi %mul3A_21, %parallel_loop3A_96 : vector<16xi32>
      %parallel_loop3A_98 = tpu.vector_load_idx %arg6[%parallel_loop3A_97] : memref<65536xi32, #tpu.memory_space<vmem>>[vector<16xi32>], vector<16xi32>,
      %parallel_loop3A_99 = arith.addi %parallel_loop3A_91, %parallel_loop3A_98 : vector<16xi32>
      %parallel_loop3A_100 = arith.constant 256 : i32
      %parallel_loop3A_101 = arith.muli %parallel_loop3A_83, %parallel_loop3A_100 : i32
      %parallel_loop3A_102 = arith.constant 2 : i32
      %parallel_loop3A_103 = arith.addi %parallel_loop3A_101, %parallel_loop3A_102 : i32
      %parallel_loop3A_104 = vector.broadcast %parallel_loop3A_103 : i32 to vector<16xi32>
      %parallel_loop3A_105 = arith.addi %mul3A_21, %parallel_loop3A_104 : vector<16xi32>
      %parallel_loop3A_106 = tpu.vector_load_idx %arg6[%parallel_loop3A_105] : memref<65536xi32, #tpu.memory_space<vmem>>[vector<16xi32>], vector<16xi32>,
      %parallel_loop3A_107 = arith.addi %parallel_loop3A_99, %parallel_loop3A_106 : vector<16xi32>
      %parallel_loop3A_108 = arith.constant 256 : i32
      %parallel_loop3A_109 = arith.muli %parallel_loop3A_83, %parallel_loop3A_108 : i32
      %parallel_loop3A_110 = arith.constant 3 : i32
      %parallel_loop3A_111 = arith.addi %parallel_loop3A_109, %parallel_loop3A_110 : i32
      %parallel_loop3A_112 = vector.broadcast %parallel_loop3A_111 : i32 to vector<16xi32>
      %parallel_loop3A_113 = arith.addi %mul3A_21, %parallel_loop3A_112 : vector<16xi32>
      %parallel_loop3A_114 = tpu.vector_load_idx %arg6[%parallel_loop3A_113] : memref<65536xi32, #tpu.memory_space<vmem>>[vector<16xi32>], vector<16xi32>,
      %parallel_loop3A_115 = arith.addi %parallel_loop3A_107, %parallel_loop3A_114 : vector<16xi32>
      %parallel_loop3A_116 = arith.constant 256 : i32
      %parallel_loop3A_117 = arith.muli %parallel_loop3A_83, %parallel_loop3A_116 : i32
      %parallel_loop3A_118 = arith.constant 4 : i32
      %parallel_loop3A_119 = arith.addi %parallel_loop3A_117, %parallel_loop3A_118 : i32
      %parallel_loop3A_120 = vector.broadcast %parallel_loop3A_119 : i32 to vector<16xi32>
      %parallel_loop3A_121 = arith.addi %mul3A_21, %parallel_loop3A_120 : vector<16xi32>
      %parallel_loop3A_122 = tpu.vector_load_idx %arg6[%parallel_loop3A_121] : memref<65536xi32, #tpu.memory_space<vmem>>[vector<16xi32>], vector<16xi32>,
      %parallel_loop3A_123 = arith.addi %parallel_loop3A_115, %parallel_loop3A_122 : vector<16xi32>
      %parallel_loop3A_124 = arith.constant 256 : i32
      %parallel_loop3A_125 = arith.muli %parallel_loop3A_83, %parallel_loop3A_124 : i32
      %parallel_loop3A_126 = arith.constant 5 : i32
      %parallel_loop3A_127 = arith.addi %parallel_loop3A_125, %parallel_loop3A_126 : i32
      %parallel_loop3A_128 = vector.broadcast %parallel_loop3A_127 : i32 to vector<16xi32>
      %parallel_loop3A_129 = arith.addi %mul3A_21, %parallel_loop3A_128 : vector<16xi32>
      %parallel_loop3A_130 = tpu.vector_load_idx %arg6[%parallel_loop3A_129] : memref<65536xi32, #tpu.memory_space<vmem>>[vector<16xi32>], vector<16xi32>,
      %parallel_loop3A_131 = arith.addi %parallel_loop3A_123, %parallel_loop3A_130 : vector<16xi32>
      %parallel_loop3A_132 = arith.constant 256 : i32
      %parallel_loop3A_133 = arith.muli %parallel_loop3A_83, %parallel_loop3A_132 : i32
      %parallel_loop3A_134 = arith.constant 6 : i32
      %parallel_loop3A_135 = arith.addi %parallel_loop3A_133, %parallel_loop3A_134 : i32
      %parallel_loop3A_136 = vector.broadcast %parallel_loop3A_135 : i32 to vector<16xi32>
      %parallel_loop3A_137 = arith.addi %mul3A_21, %parallel_loop3A_136 : vector<16xi32>
      %parallel_loop3A_138 = tpu.vector_load_idx %arg6[%parallel_loop3A_137] : memref<65536xi32, #tpu.memory_space<vmem>>[vector<16xi32>], vector<16xi32>,
      %parallel_loop3A_139 = arith.addi %parallel_loop3A_131, %parallel_loop3A_138 : vector<16xi32>
      %parallel_loop3A_140 = arith.constant 256 : i32
      %parallel_loop3A_141 = arith.muli %parallel_loop3A_83, %parallel_loop3A_140 : i32
      %parallel_loop3A_142 = arith.constant 7 : i32
      %parallel_loop3A_143 = arith.addi %parallel_loop3A_141, %parallel_loop3A_142 : i32
      %parallel_loop3A_144 = vector.broadcast %parallel_loop3A_143 : i32 to vector<16xi32>
      %parallel_loop3A_145 = arith.addi %mul3A_21, %parallel_loop3A_144 : vector<16xi32>
      %parallel_loop3A_146 = tpu.vector_load_idx %arg6[%parallel_loop3A_145] : memref<65536xi32, #tpu.memory_space<vmem>>[vector<16xi32>], vector<16xi32>,
      %parallel_loop3A_147 = arith.addi %parallel_loop3A_139, %parallel_loop3A_146 : vector<16xi32>
      %parallel_loop3A_148 = arith.constant 256 : i32
      %parallel_loop3A_149 = arith.muli %parallel_loop3A_83, %parallel_loop3A_148 : i32
      %parallel_loop3A_150 = arith.constant 8 : i32
      %parallel_loop3A_151 = arith.addi %parallel_loop3A_149, %parallel_loop3A_150 : i32
      %parallel_loop3A_152 = vector.broadcast %parallel_loop3A_151 : i32 to vector<16xi32>
      %parallel_loop3A_153 = arith.addi %mul3A_21, %parallel_loop3A_152 : vector<16xi32>
      %parallel_loop3A_154 = tpu.vector_load_idx %arg6[%parallel_loop3A_153] : memref<65536xi32, #tpu.memory_space<vmem>>[vector<16xi32>], vector<16xi32>,
      %parallel_loop3A_155 = arith.addi %parallel_loop3A_147, %parallel_loop3A_154 : vector<16xi32>
      %parallel_loop3A_156 = arith.constant 256 : i32
      %parallel_loop3A_157 = arith.muli %parallel_loop3A_83, %parallel_loop3A_156 : i32
      %parallel_loop3A_158 = arith.constant 9 : i32
      %parallel_loop3A_159 = arith.addi %parallel_loop3A_157, %parallel_loop3A_158 : i32
      %parallel_loop3A_160 = vector.broadcast %parallel_loop3A_159 : i32 to vector<16xi32>
      %parallel_loop3A_161 = arith.addi %mul3A_21, %parallel_loop3A_160 : vector<16xi32>
      %parallel_loop3A_162 = tpu.vector_load_idx %arg6[%parallel_loop3A_161] : memref<65536xi32, #tpu.memory_space<vmem>>[vector<16xi32>], vector<16xi32>,
      %parallel_loop3A_163 = arith.addi %parallel_loop3A_155, %parallel_loop3A_162 : vector<16xi32>
      %parallel_loop3A_164 = arith.constant 256 : i32
      %parallel_loop3A_165 = arith.muli %parallel_loop3A_83, %parallel_loop3A_164 : i32
      %parallel_loop3A_166 = arith.constant 10 : i32
      %parallel_loop3A_167 = arith.addi %parallel_loop3A_165, %parallel_loop3A_166 : i32
      %parallel_loop3A_168 = vector.broadcast %parallel_loop3A_167 : i32 to vector<16xi32>
      %parallel_loop3A_169 = arith.addi %mul3A_21, %parallel_loop3A_168 : vector<16xi32>
      %parallel_loop3A_170 = tpu.vector_load_idx %arg6[%parallel_loop3A_169] : memref<65536xi32, #tpu.memory_space<vmem>>[vector<16xi32>], vector<16xi32>,
      %parallel_loop3A_171 = arith.addi %parallel_loop3A_163, %parallel_loop3A_170 : vector<16xi32>
      %parallel_loop3A_172 = arith.constant 256 : i32
      %parallel_loop3A_173 = arith.muli %parallel_loop3A_83, %parallel_loop3A_172 : i32
      %parallel_loop3A_174 = arith.constant 11 : i32
      %parallel_loop3A_175 = arith.addi %parallel_loop3A_173, %parallel_loop3A_174 : i32
      %parallel_loop3A_176 = vector.broadcast %parallel_loop3A_175 : i32 to vector<16xi32>
      %parallel_loop3A_177 = arith.addi %mul3A_21, %parallel_loop3A_176 : vector<16xi32>
      %parallel_loop3A_178 = tpu.vector_load_idx %arg6[%parallel_loop3A_177] : memref<65536xi32, #tpu.memory_space<vmem>>[vector<16xi32>], vector<16xi32>,
      %parallel_loop3A_179 = arith.addi %parallel_loop3A_171, %parallel_loop3A_178 : vector<16xi32>
      %parallel_loop3A_180 = arith.constant 256 : i32
      %parallel_loop3A_181 = arith.muli %parallel_loop3A_83, %parallel_loop3A_180 : i32
      %parallel_loop3A_182 = arith.constant 12 : i32
      %parallel_loop3A_183 = arith.addi %parallel_loop3A_181, %parallel_loop3A_182 : i32
      %parallel_loop3A_184 = vector.broadcast %parallel_loop3A_183 : i32 to vector<16xi32>
      %parallel_loop3A_185 = arith.addi %mul3A_21, %parallel_loop3A_184 : vector<16xi32>
      %parallel_loop3A_186 = tpu.vector_load_idx %arg6[%parallel_loop3A_185] : memref<65536xi32, #tpu.memory_space<vmem>>[vector<16xi32>], vector<16xi32>,
      %parallel_loop3A_187 = arith.addi %parallel_loop3A_179, %parallel_loop3A_186 : vector<16xi32>
      %parallel_loop3A_188 = arith.constant 256 : i32
      %parallel_loop3A_189 = arith.muli %parallel_loop3A_83, %parallel_loop3A_188 : i32
      %parallel_loop3A_190 = arith.constant 13 : i32
      %parallel_loop3A_191 = arith.addi %parallel_loop3A_189, %parallel_loop3A_190 : i32
      %parallel_loop3A_192 = vector.broadcast %parallel_loop3A_191 : i32 to vector<16xi32>
      %parallel_loop3A_193 = arith.addi %mul3A_21, %parallel_loop3A_192 : vector<16xi32>
      %parallel_loop3A_194 = tpu.vector_load_idx %arg6[%parallel_loop3A_193] : memref<65536xi32, #tpu.memory_space<vmem>>[vector<16xi32>], vector<16xi32>,
      %parallel_loop3A_195 = arith.addi %parallel_loop3A_187, %parallel_loop3A_194 : vector<16xi32>
      %parallel_loop3A_196 = arith.constant 256 : i32
      %parallel_loop3A_197 = arith.muli %parallel_loop3A_83, %parallel_loop3A_196 : i32
      %parallel_loop3A_198 = arith.constant 14 : i32
      %parallel_loop3A_199 = arith.addi %parallel_loop3A_197, %parallel_loop3A_198 : i32
      %parallel_loop3A_200 = vector.broadcast %parallel_loop3A_199 : i32 to vector<16xi32>
      %parallel_loop3A_201 = arith.addi %mul3A_21, %parallel_loop3A_200 : vector<16xi32>
      %parallel_loop3A_202 = tpu.vector_load_idx %arg6[%parallel_loop3A_201] : memref<65536xi32, #tpu.memory_space<vmem>>[vector<16xi32>], vector<16xi32>,
      %parallel_loop3A_203 = arith.addi %parallel_loop3A_195, %parallel_loop3A_202 : vector<16xi32>
      %parallel_loop3A_204 = arith.constant 256 : i32
      %parallel_loop3A_205 = arith.muli %parallel_loop3A_83, %parallel_loop3A_204 : i32
      %parallel_loop3A_206 = arith.constant 15 : i32
      %parallel_loop3A_207 = arith.addi %parallel_loop3A_205, %parallel_loop3A_206 : i32
      %parallel_loop3A_208 = vector.broadcast %parallel_loop3A_207 : i32 to vector<16xi32>
      %parallel_loop3A_209 = arith.addi %mul3A_21, %parallel_loop3A_208 : vector<16xi32>
      %parallel_loop3A_210 = tpu.vector_load_idx %arg6[%parallel_loop3A_209] : memref<65536xi32, #tpu.memory_space<vmem>>[vector<16xi32>], vector<16xi32>,
      %parallel_loop3A_211 = arith.addi %parallel_loop3A_203, %parallel_loop3A_210 : vector<16xi32>
      %parallel_loop3A_212 = arith.constant 16 : i32
      %parallel_loop3A_213 = arith.muli %parallel_loop3A_83, %parallel_loop3A_212 : i32
      %parallel_loop3A_214 = arith.index_cast %parallel_loop3A_213 : i32 to index
      %parallel_loop3A_215 = tpu.vector_load %arg7[%parallel_loop3A_214] {strides = array<i32>} : memref<4096xi32, #tpu.memory_space<vmem>>, vector<16xi32>,
      tpu.vector_store %arg7[%parallel_loop3A_214], %parallel_loop3A_211 {strides = array<i32>} : memref<4096xi32, #tpu.memory_space<vmem>>, vector<16xi32>,
    } {sc.loop_unroll_factor = 2 : i64, sc.parallel_access}
    %scan3A_25 = arith.constant 0 : i32
    %scan3A_26 = arith.constant 0 : i32
    %scan3A_27 = arith.constant 0 : i32
    %scan3A_28 = arith.constant 0 : i32
    %scan3A_29 = arith.constant 256 : i32
    %scan3A_30 = arith.addi %scan3A_28, %scan3A_29 : i32
    %scan3A_31 = arith.constant 1 : i32
    %scan3A_32:3 = scf.for %scan3A_83 = %scan3A_28 to %scan3A_30 step %scan3A_31 iter_args(%scan3A_84 = %scan3A_25, %scan3A_85 = %scan3A_26, %scan3A_86 = %scan3A_27) -> (i32, i32, i32)  : i32 {
      %sub3A_87 = arith.constant 255 : i32
      %sub3A_88 = arith.subi %sub3A_87, %scan3A_83 : i32
      %mul3A_89 = arith.constant 16 : i32
      %mul3A_90 = arith.muli %sub3A_88, %mul3A_89 : i32
      %get3A = arith.index_cast %mul3A_90 : i32 to index
      %get3A_91 = tpu.vector_load %arg7[%get3A] {strides = array<i32>} : memref<4096xi32, #tpu.memory_space<vmem>>, vector<16xi32>,
      %broadcast_in_dim3A_92 = arith.constant true
      %broadcast_in_dim3A_93 = vector.broadcast %broadcast_in_dim3A_92 : i1 to vector<16xi1>
      %masked_cumsum3A = tpu.scan <sum>, %get3A_91 masked %broadcast_in_dim3A_93 : vector<16xi32>, vector<16xi1> -> vector<16xi32>
      %reduce_sum3A = arith.constant true
      %reduce_sum3A_94 = vector.broadcast %reduce_sum3A : i1 to vector<16xi1>
      %reduce_sum3A_95 = tpu.scan <sum>, %get3A_91 masked %reduce_sum3A_94 : vector<16xi32>, vector<16xi1> -> vector<16xi32>
      %reduce_sum3A_96 = vector.extract %reduce_sum3A_95[15] : i32 from vector<16xi32>
      %add3A_97 = arith.addi %scan3A_84, %reduce_sum3A_96 : i32
      %sub3A_98 = vector.broadcast %add3A_97 : i32 to vector<16xi32>
      %sub3A_99 = arith.subi %sub3A_98, %masked_cumsum3A : vector<16xi32>
      %add3A_100 = arith.addi %sub3A_99, %get3A_91 : vector<16xi32>
      %mul3A_101 = arith.constant 16 : i32
      %mul3A_102 = arith.muli %sub3A_88, %mul3A_101 : i32
      %add3A_103 = vector.broadcast %mul3A_102 : i32 to vector<16xi32>
      %add3A_104 = arith.addi %add3A_103, %iota3A : vector<16xi32>
      %ge3A_105 = arith.constant 60211 : i32
      %ge3A_106 = vector.broadcast %ge3A_105 : i32 to vector<16xi32>
      %ge3A_107 = arith.cmpi sge, %add3A_100, %ge3A_106 : vector<16xi32>
      %jit3A = arith.constant -1 : i32
      %broadcast_in_dim3A_108 = vector.broadcast %jit3A : i32 to vector<16xi32>
      %select_n3A_109 = arith.select %ge3A_107, %add3A_104, %broadcast_in_dim3A_108 : vector<16xi1>, vector<16xi32>
      %reduce_max3A_110 = arith.constant true
      %reduce_max3A_111 = vector.broadcast %reduce_max3A_110 : i1 to vector<16xi1>
      %reduce_max3A_112 = arith.constant -2147483648 : i32
      %reduce_max3A_113 = vector.broadcast %reduce_max3A_112 : i32 to vector<16xi32>
      %reduce_max3A_114 = arith.xori %select_n3A_109, %reduce_max3A_113 : vector<16xi32>
      %reduce_max3A_115 = tpu.scan <max>, %reduce_max3A_114 masked %reduce_max3A_111 : vector<16xi32>, vector<16xi1> -> vector<16xi32>
      %reduce_max3A_116 = arith.xori %reduce_max3A_115, %reduce_max3A_113 : vector<16xi32>
      %reduce_max3A_117 = vector.extract %reduce_max3A_116[15] : i32 from vector<16xi32>
      %eq3A = vector.broadcast %reduce_max3A_117 : i32 to vector<16xi32>
      %eq3A_118 = arith.cmpi eq, %add3A_104, %eq3A : vector<16xi32>
      %jit3A_119 = arith.constant 0 : i32
      %broadcast_in_dim3A_120 = vector.broadcast %jit3A_119 : i32 to vector<16xi32>
      %select_n3A_121 = arith.select %eq3A_118, %sub3A_99, %broadcast_in_dim3A_120 : vector<16xi1>, vector<16xi32>
      %reduce_max3A_122 = arith.constant true
      %reduce_max3A_123 = vector.broadcast %reduce_max3A_122 : i1 to vector<16xi1>
      %reduce_max3A_124 = arith.constant -2147483648 : i32
      %reduce_max3A_125 = vector.broadcast %reduce_max3A_124 : i32 to vector<16xi32>
      %reduce_max3A_126 = arith.xori %select_n3A_121, %reduce_max3A_125 : vector<16xi32>
      %reduce_max3A_127 = tpu.scan <max>, %reduce_max3A_126 masked %reduce_max3A_123 : vector<16xi32>, vector<16xi1> -> vector<16xi32>
      %reduce_max3A_128 = arith.xori %reduce_max3A_127, %reduce_max3A_125 : vector<16xi32>
      %reduce_max3A_129 = vector.extract %reduce_max3A_128[15] : i32 from vector<16xi32>
      %lt3A = arith.constant 60211 : i32
      %lt3A_130 = arith.cmpi slt, %scan3A_84, %lt3A : i32
      %add3A_131 = arith.addi %scan3A_84, %reduce_sum3A_96 : i32
      %ge3A_132 = arith.constant 60211 : i32
      %ge3A_133 = arith.cmpi sge, %add3A_131, %ge3A_132 : i32
      %and3A = arith.andi %lt3A_130, %ge3A_133 : i1
      %select_n3A_134 = arith.select %and3A, %reduce_max3A_117, %scan3A_85 : i32
      %select_n3A_135 = arith.select %and3A, %reduce_max3A_129, %scan3A_86 : i32
      %add3A_136 = arith.addi %scan3A_84, %reduce_sum3A_96 : i32
      scf.yield %add3A_136, %select_n3A_134, %select_n3A_135 : i32, i32, i32
    }
    %scan3A_33 = arith.constant 256 : i32
    %sub3A = arith.constant 2048 : i32
    %sub3A_34 = arith.subi %scan3A_32#1, %sub3A : i32
    %dma_start3A_35 = arith.constant 0 : i32
    %dma_start3A_36 = tpu.memref_slice %arg2[%add3A, %dma_start3A_35] : memref<32x602112xf32, #tpu.memory_space<hbm>> -> memref<1x10752xf32, #tpu.memory_space<hbm>>
    %dma_start3A_37 = tpu.memref_squeeze %dma_start3A_36 : memref<1x10752xf32, #tpu.memory_space<hbm>> -> memref<10752xf32, #tpu.memory_space<hbm>>
    %dma_start3A_38 = arith.constant 0 : i32
    %dma_start3A_39 = tpu.memref_slice %arg2[%add3A, %dma_start3A_38] : memref<32x602112xf32, #tpu.memory_space<hbm>> -> memref<1x10752xf32, #tpu.memory_space<hbm>>
    %dma_start3A_40 = tpu.memref_squeeze %dma_start3A_39 : memref<1x10752xf32, #tpu.memory_space<hbm>> -> memref<10752xf32, #tpu.memory_space<hbm>>
    tpu.enqueue_dma source(%dma_start3A_40 : memref<10752xf32, #tpu.memory_space<hbm>>) target(%arg4 : memref<10752xf32, #tpu.memory_space<vmem>>) target_semaphore(%arg9 : memref<!tpu.dma_semaphore, #tpu.memory_space<semaphore_mem>>)
    %scan3A_41 = arith.constant 0 : i32
    %scan3A_42 = arith.constant 28 : i32
    %scan3A_43 = arith.addi %scan3A_41, %scan3A_42 : i32
    %scan3A_44 = arith.constant 1 : i32
    %scan3A_45 = scf.for %scan3A_83 = %scan3A_41 to %scan3A_43 step %scan3A_44 iter_args(%scan3A_84 = %broadcast_in_dim3A_3) -> (vector<16xi32>)  : i32 {
      %mul3A_85 = arith.constant 2 : i32
      %mul3A_86 = arith.muli %scan3A_83, %mul3A_85 : i32
      %mul3A_87 = arith.constant 10752 : i32
      %mul3A_88 = arith.muli %mul3A_86, %mul3A_87 : i32
      %dma_wait3A_89 = tpu.memref_slice %arg2[%add3A, %mul3A_88] : memref<32x602112xf32, #tpu.memory_space<hbm>> -> memref<1x10752xf32, #tpu.memory_space<hbm>>
      %dma_wait3A_90 = tpu.memref_squeeze %dma_wait3A_89 : memref<1x10752xf32, #tpu.memory_space<hbm>> -> memref<10752xf32, #tpu.memory_space<hbm>>
      %dma_wait3A_91 = tpu.memref_slice %arg2[%add3A, %mul3A_88] : memref<32x602112xf32, #tpu.memory_space<hbm>> -> memref<1x10752xf32, #tpu.memory_space<hbm>>
      %dma_wait3A_92 = tpu.memref_squeeze %dma_wait3A_91 : memref<1x10752xf32, #tpu.memory_space<hbm>> -> memref<10752xf32, #tpu.memory_space<hbm>>
      tpu.wait_dma2 semaphore(%arg9 : memref<!tpu.dma_semaphore, #tpu.memory_space<semaphore_mem>>) src(%dma_wait3A_92 : memref<10752xf32, #tpu.memory_space<hbm>>) dst(%arg4 : memref<10752xf32, #tpu.memory_space<vmem>>)
      %add3A_93 = arith.constant 1 : i32
      %add3A_94 = arith.addi %mul3A_86, %add3A_93 : i32
      %mul3A_95 = arith.constant 10752 : i32
      %mul3A_96 = arith.muli %add3A_94, %mul3A_95 : i32
      %dma_start3A_97 = tpu.memref_slice %arg2[%add3A, %mul3A_96] : memref<32x602112xf32, #tpu.memory_space<hbm>> -> memref<1x10752xf32, #tpu.memory_space<hbm>>
      %dma_start3A_98 = tpu.memref_squeeze %dma_start3A_97 : memref<1x10752xf32, #tpu.memory_space<hbm>> -> memref<10752xf32, #tpu.memory_space<hbm>>
      %dma_start3A_99 = tpu.memref_slice %arg2[%add3A, %mul3A_96] : memref<32x602112xf32, #tpu.memory_space<hbm>> -> memref<1x10752xf32, #tpu.memory_space<hbm>>
      %dma_start3A_100 = tpu.memref_squeeze %dma_start3A_99 : memref<1x10752xf32, #tpu.memory_space<hbm>> -> memref<10752xf32, #tpu.memory_space<hbm>>
      tpu.enqueue_dma source(%dma_start3A_100 : memref<10752xf32, #tpu.memory_space<hbm>>) target(%arg5 : memref<10752xf32, #tpu.memory_space<vmem>>) target_semaphore(%arg10 : memref<!tpu.dma_semaphore, #tpu.memory_space<semaphore_mem>>)
      %parallel_loop3A_101 = arith.constant 0 : i32
      %parallel_loop3A_102 = arith.constant 672 : i32
      %parallel_loop3A_103 = arith.constant 1 : i32
      %parallel_loop3A_104 = scf.for %parallel_loop3A_121 = %parallel_loop3A_101 to %parallel_loop3A_102 step %parallel_loop3A_103 iter_args(%parallel_loop3A_122 = %scan3A_84) -> (vector<16xi32>)  : i32 {
        %parallel_loop3A_123 = arith.constant 16 : i32
        %parallel_loop3A_124 = arith.muli %parallel_loop3A_121, %parallel_loop3A_123 : i32
        %parallel_loop3A_125 = arith.index_cast %parallel_loop3A_124 : i32 to index
        %parallel_loop3A_126 = tpu.vector_load %arg4[%parallel_loop3A_125] {strides = array<i32>} : memref<10752xf32, #tpu.memory_space<vmem>>, vector<16xf32>,
        %parallel_loop3A_127 = tpu.bitcast %parallel_loop3A_126 : vector<16xf32> -> vector<16xi32>
        %parallel_loop3A_128 = arith.constant 31 : i32
        %parallel_loop3A_129 = vector.broadcast %parallel_loop3A_128 : i32 to vector<16xi32>
        %parallel_loop3A_130 = arith.shrsi %parallel_loop3A_127, %parallel_loop3A_129 : vector<16xi32>
        %parallel_loop3A_131 = arith.constant 2147483647 : i32
        %parallel_loop3A_132 = vector.broadcast %parallel_loop3A_131 : i32 to vector<16xi32>
        %parallel_loop3A_133 = arith.andi %parallel_loop3A_130, %parallel_loop3A_132 : vector<16xi32>
        %parallel_loop3A_134 = arith.xori %parallel_loop3A_127, %parallel_loop3A_133 : vector<16xi32>
        %parallel_loop3A_135 = arith.constant 20 : i32
        %parallel_loop3A_136 = vector.broadcast %parallel_loop3A_135 : i32 to vector<16xi32>
        %parallel_loop3A_137 = arith.shrsi %parallel_loop3A_134, %parallel_loop3A_136 : vector<16xi32>
        %parallel_loop3A_138 = vector.broadcast %sub3A_34 : i32 to vector<16xi32>
        %parallel_loop3A_139 = arith.cmpi eq, %parallel_loop3A_137, %parallel_loop3A_138 : vector<16xi32>
        %parallel_loop3A_140 = arith.constant 2048 : i32
        %parallel_loop3A_141 = vector.broadcast %parallel_loop3A_140 : i32 to vector<16xi32>
        %parallel_loop3A_142 = arith.cmpi slt, %parallel_loop3A_122, %parallel_loop3A_141 : vector<16xi32>
        %parallel_loop3A_143 = arith.andi %parallel_loop3A_139, %parallel_loop3A_142 : vector<16xi1>
        %parallel_loop3A_144 = arith.constant 4 : i32
        %parallel_loop3A_145 = vector.broadcast %parallel_loop3A_144 : i32 to vector<16xi32>
        %parallel_loop3A_146 = arith.shli %parallel_loop3A_122, %parallel_loop3A_145 : vector<16xi32>
        %parallel_loop3A_147 = arith.addi %parallel_loop3A_146, %iota3A : vector<16xi32>
        tpu.vector_store_idx %arg8[%parallel_loop3A_147], %parallel_loop3A_134 masked %parallel_loop3A_143 : memref<32768xi32, #tpu.memory_space<vmem>>[vector<16xi32>], vector<16xi32>, vector<16xi1>
        %parallel_loop3A_148 = arith.extui %parallel_loop3A_143 : vector<16xi1> to vector<16xi32>
        %parallel_loop3A_149 = arith.addi %parallel_loop3A_122, %parallel_loop3A_148 : vector<16xi32>
        scf.yield %parallel_loop3A_149 : vector<16xi32>
      } {sc.loop_unroll_factor = 8 : i64, sc.parallel_access}
      %add3A_105 = arith.constant 1 : i32
      %add3A_106 = arith.addi %mul3A_86, %add3A_105 : i32
      %mul3A_107 = arith.constant 10752 : i32
      %mul3A_108 = arith.muli %add3A_106, %mul3A_107 : i32
      %dma_wait3A_109 = tpu.memref_slice %arg2[%add3A, %mul3A_108] : memref<32x602112xf32, #tpu.memory_space<hbm>> -> memref<1x10752xf32, #tpu.memory_space<hbm>>
      %dma_wait3A_110 = tpu.memref_squeeze %dma_wait3A_109 : memref<1x10752xf32, #tpu.memory_space<hbm>> -> memref<10752xf32, #tpu.memory_space<hbm>>
      %dma_wait3A_111 = tpu.memref_slice %arg2[%add3A, %mul3A_108] : memref<32x602112xf32, #tpu.memory_space<hbm>> -> memref<1x10752xf32, #tpu.memory_space<hbm>>
      %dma_wait3A_112 = tpu.memref_squeeze %dma_wait3A_111 : memref<1x10752xf32, #tpu.memory_space<hbm>> -> memref<10752xf32, #tpu.memory_space<hbm>>
      tpu.wait_dma2 semaphore(%arg10 : memref<!tpu.dma_semaphore, #tpu.memory_space<semaphore_mem>>) src(%dma_wait3A_112 : memref<10752xf32, #tpu.memory_space<hbm>>) dst(%arg5 : memref<10752xf32, #tpu.memory_space<vmem>>)
      %add3A_113 = arith.constant 2 : i32
      %add3A_114 = arith.addi %mul3A_86, %add3A_113 : i32
      %lt3A = arith.constant 56 : i32
      %lt3A_115 = arith.cmpi slt, %add3A_114, %lt3A : i32
      %convert_element_type3A = arith.extui %lt3A_115 : i1 to i32
      %cond3A = arith.constant 0 : i32
      %cond3A_116 = arith.cmpi ne, %convert_element_type3A, %cond3A : i32
      scf.if %cond3A_116 {
        %add3A_121 = arith.constant 2 : i32
        %add3A_122 = arith.addi %mul3A_86, %add3A_121 : i32
        %mul3A_123 = arith.constant 10752 : i32
        %mul3A_124 = arith.muli %add3A_122, %mul3A_123 : i32
        %dma_start3A_125 = tpu.memref_slice %arg2[%add3A, %mul3A_124] : memref<32x602112xf32, #tpu.memory_space<hbm>> -> memref<1x10752xf32, #tpu.memory_space<hbm>>
        %dma_start3A_126 = tpu.memref_squeeze %dma_start3A_125 : memref<1x10752xf32, #tpu.memory_space<hbm>> -> memref<10752xf32, #tpu.memory_space<hbm>>
        %dma_start3A_127 = tpu.memref_slice %arg2[%add3A, %mul3A_124] : memref<32x602112xf32, #tpu.memory_space<hbm>> -> memref<1x10752xf32, #tpu.memory_space<hbm>>
        %dma_start3A_128 = tpu.memref_squeeze %dma_start3A_127 : memref<1x10752xf32, #tpu.memory_space<hbm>> -> memref<10752xf32, #tpu.memory_space<hbm>>
        tpu.enqueue_dma source(%dma_start3A_128 : memref<10752xf32, #tpu.memory_space<hbm>>) target(%arg4 : memref<10752xf32, #tpu.memory_space<vmem>>) target_semaphore(%arg9 : memref<!tpu.dma_semaphore, #tpu.memory_space<semaphore_mem>>)
      } else {
      }
      %parallel_loop3A_117 = arith.constant 0 : i32
      %parallel_loop3A_118 = arith.constant 672 : i32
      %parallel_loop3A_119 = arith.constant 1 : i32
      %parallel_loop3A_120 = scf.for %parallel_loop3A_121 = %parallel_loop3A_117 to %parallel_loop3A_118 step %parallel_loop3A_119 iter_args(%parallel_loop3A_122 = %parallel_loop3A_104) -> (vector<16xi32>)  : i32 {
        %parallel_loop3A_123 = arith.constant 16 : i32
        %parallel_loop3A_124 = arith.muli %parallel_loop3A_121, %parallel_loop3A_123 : i32
        %parallel_loop3A_125 = arith.index_cast %parallel_loop3A_124 : i32 to index
        %parallel_loop3A_126 = tpu.vector_load %arg5[%parallel_loop3A_125] {strides = array<i32>} : memref<10752xf32, #tpu.memory_space<vmem>>, vector<16xf32>,
        %parallel_loop3A_127 = tpu.bitcast %parallel_loop3A_126 : vector<16xf32> -> vector<16xi32>
        %parallel_loop3A_128 = arith.constant 31 : i32
        %parallel_loop3A_129 = vector.broadcast %parallel_loop3A_128 : i32 to vector<16xi32>
        %parallel_loop3A_130 = arith.shrsi %parallel_loop3A_127, %parallel_loop3A_129 : vector<16xi32>
        %parallel_loop3A_131 = arith.constant 2147483647 : i32
        %parallel_loop3A_132 = vector.broadcast %parallel_loop3A_131 : i32 to vector<16xi32>
        %parallel_loop3A_133 = arith.andi %parallel_loop3A_130, %parallel_loop3A_132 : vector<16xi32>
        %parallel_loop3A_134 = arith.xori %parallel_loop3A_127, %parallel_loop3A_133 : vector<16xi32>
        %parallel_loop3A_135 = arith.constant 20 : i32
        %parallel_loop3A_136 = vector.broadcast %parallel_loop3A_135 : i32 to vector<16xi32>
        %parallel_loop3A_137 = arith.shrsi %parallel_loop3A_134, %parallel_loop3A_136 : vector<16xi32>
        %parallel_loop3A_138 = vector.broadcast %sub3A_34 : i32 to vector<16xi32>
        %parallel_loop3A_139 = arith.cmpi eq, %parallel_loop3A_137, %parallel_loop3A_138 : vector<16xi32>
        %parallel_loop3A_140 = arith.constant 2048 : i32
        %parallel_loop3A_141 = vector.broadcast %parallel_loop3A_140 : i32 to vector<16xi32>
        %parallel_loop3A_142 = arith.cmpi slt, %parallel_loop3A_122, %parallel_loop3A_141 : vector<16xi32>
        %parallel_loop3A_143 = arith.andi %parallel_loop3A_139, %parallel_loop3A_142 : vector<16xi1>
        %parallel_loop3A_144 = arith.constant 4 : i32
        %parallel_loop3A_145 = vector.broadcast %parallel_loop3A_144 : i32 to vector<16xi32>
        %parallel_loop3A_146 = arith.shli %parallel_loop3A_122, %parallel_loop3A_145 : vector<16xi32>
        %parallel_loop3A_147 = arith.addi %parallel_loop3A_146, %iota3A : vector<16xi32>
        tpu.vector_store_idx %arg8[%parallel_loop3A_147], %parallel_loop3A_134 masked %parallel_loop3A_143 : memref<32768xi32, #tpu.memory_space<vmem>>[vector<16xi32>], vector<16xi32>, vector<16xi1>
        %parallel_loop3A_148 = arith.extui %parallel_loop3A_143 : vector<16xi1> to vector<16xi32>
        %parallel_loop3A_149 = arith.addi %parallel_loop3A_122, %parallel_loop3A_148 : vector<16xi32>
        scf.yield %parallel_loop3A_149 : vector<16xi32>
      } {sc.loop_unroll_factor = 8 : i64, sc.parallel_access}
      scf.yield %parallel_loop3A_120 : vector<16xi32>
    }
    %scan3A_46 = arith.constant 28 : i32
    %sub3A_47 = arith.constant 60211 : i32
    %sub3A_48 = arith.subi %sub3A_47, %scan3A_32#2 : i32
    %reduce_max3A = arith.constant true
    %reduce_max3A_49 = vector.broadcast %reduce_max3A : i1 to vector<16xi1>
    %reduce_max3A_50 = arith.constant -2147483648 : i32
    %reduce_max3A_51 = vector.broadcast %reduce_max3A_50 : i32 to vector<16xi32>
    %reduce_max3A_52 = arith.xori %scan3A_45, %reduce_max3A_51 : vector<16xi32>
    %reduce_max3A_53 = tpu.scan <max>, %reduce_max3A_52 masked %reduce_max3A_49 : vector<16xi32>, vector<16xi1> -> vector<16xi32>
    %reduce_max3A_54 = arith.xori %reduce_max3A_53, %reduce_max3A_51 : vector<16xi32>
    %reduce_max3A_55 = vector.extract %reduce_max3A_54[15] : i32 from vector<16xi32>
    %shift_left3A = arith.constant 20 : i32
    %shift_left3A_56 = arith.shli %sub3A_34, %shift_left3A : i32
    %or3A = arith.constant 1048575 : i32
    %or3A_57 = arith.ori %shift_left3A_56, %or3A : i32
    %scan3A_58 = arith.constant 0 : i32
    %scan3A_59 = arith.constant 20 : i32
    %scan3A_60 = arith.addi %scan3A_58, %scan3A_59 : i32
    %scan3A_61 = arith.constant 1 : i32
    %scan3A_62:2 = scf.for %scan3A_83 = %scan3A_58 to %scan3A_60 step %scan3A_61 iter_args(%scan3A_84 = %shift_left3A_56, %scan3A_85 = %or3A_57) -> (i32, i32)  : i32 {
      %sub3A_86 = arith.subi %scan3A_85, %scan3A_84 : i32
      %add3A_87 = arith.constant 1 : i32
      %add3A_88 = arith.addi %sub3A_86, %add3A_87 : i32
      %shift_right_arithmetic3A = arith.constant 1 : i32
      %shift_right_arithmetic3A_89 = arith.shrsi %add3A_88, %shift_right_arithmetic3A : i32
      %add3A_90 = arith.addi %scan3A_84, %shift_right_arithmetic3A_89 : i32
      %parallel_loop3A_91 = arith.constant 0 : i32
      %parallel_loop3A_92 = arith.constant 1 : i32
      %parallel_loop3A_93 = scf.for %parallel_loop3A_102 = %parallel_loop3A_91 to %reduce_max3A_55 step %parallel_loop3A_92 iter_args(%parallel_loop3A_103 = %broadcast_in_dim3A_3) -> (vector<16xi32>)  : i32 {
        %parallel_loop3A_104 = arith.constant 16 : i32
        %parallel_loop3A_105 = arith.muli %parallel_loop3A_102, %parallel_loop3A_104 : i32
        %parallel_loop3A_106 = arith.index_cast %parallel_loop3A_105 : i32 to index
        %parallel_loop3A_107 = tpu.vector_load %arg8[%parallel_loop3A_106] {strides = array<i32>} : memref<32768xi32, #tpu.memory_space<vmem>>, vector<16xi32>,
        %parallel_loop3A_108 = vector.broadcast %add3A_90 : i32 to vector<16xi32>
        %parallel_loop3A_109 = arith.cmpi sge, %parallel_loop3A_107, %parallel_loop3A_108 : vector<16xi32>
        %parallel_loop3A_110 = vector.broadcast %parallel_loop3A_102 : i32 to vector<16xi32>
        %parallel_loop3A_111 = arith.cmpi slt, %parallel_loop3A_110, %scan3A_45 : vector<16xi32>
        %parallel_loop3A_112 = arith.andi %parallel_loop3A_109, %parallel_loop3A_111 : vector<16xi1>
        %parallel_loop3A_113 = arith.extui %parallel_loop3A_112 : vector<16xi1> to vector<16xi32>
        %parallel_loop3A_114 = arith.addi %parallel_loop3A_103, %parallel_loop3A_113 : vector<16xi32>
        scf.yield %parallel_loop3A_114 : vector<16xi32>
      } {sc.loop_unroll_factor = 8 : i64, sc.parallel_access}
      %reduce_sum3A = arith.constant true
      %reduce_sum3A_94 = vector.broadcast %reduce_sum3A : i1 to vector<16xi1>
      %reduce_sum3A_95 = tpu.scan <sum>, %parallel_loop3A_93 masked %reduce_sum3A_94 : vector<16xi32>, vector<16xi1> -> vector<16xi32>
      %reduce_sum3A_96 = vector.extract %reduce_sum3A_95[15] : i32 from vector<16xi32>
      %ge3A_97 = arith.cmpi sge, %reduce_sum3A_96, %sub3A_48 : i32
      %select_n3A_98 = arith.select %ge3A_97, %add3A_90, %scan3A_84 : i32
      %sub3A_99 = arith.constant 1 : i32
      %sub3A_100 = arith.subi %add3A_90, %sub3A_99 : i32
      %select_n3A_101 = arith.select %ge3A_97, %scan3A_85, %sub3A_100 : i32
      scf.yield %select_n3A_98, %select_n3A_101 : i32, i32
    }
    %scan3A_63 = arith.constant 20 : i32
    %ge3A = arith.constant 0 : i32
    %ge3A_64 = arith.cmpi sge, %scan3A_62#0, %ge3A : i32
    %xor3A = arith.constant 2147483647 : i32
    %xor3A_65 = arith.xori %scan3A_62#0, %xor3A : i32
    %select_n3A = arith.select %ge3A_64, %scan3A_62#0, %xor3A_65 : i32
    %bitcast_convert_type3A = arith.bitcast %select_n3A : i32 to f32
    %broadcast_in_dim3A_66 = vector.broadcast %bitcast_convert_type3A : f32 to vector<16xf32>
    %swap3A = arith.constant 0 : index
    %swap3A_67 = tpu.vector_load %arg4[%swap3A] {strides = array<i32>} : memref<10752xf32, #tpu.memory_space<vmem>>, vector<16xf32>,
    tpu.vector_store %arg4[%swap3A], %broadcast_in_dim3A_66 {strides = array<i32>} : memref<10752xf32, #tpu.memory_space<vmem>>, vector<16xf32>,
    %mul3A_68 = arith.constant 16 : i32
    %mul3A_69 = arith.muli %add3A, %mul3A_68 : i32
    %dma_start3A_70 = arith.constant 0 : i32
    %dma_start3A_71 = tpu.memref_slice %arg4[%dma_start3A_70] : memref<10752xf32, #tpu.memory_space<vmem>> -> memref<16xf32, #tpu.memory_space<vmem>>
    %dma_start3A_72 = tpu.memref_slice %arg3[%mul3A_69] : memref<512xf32, #tpu.memory_space<hbm>> -> memref<16xf32, #tpu.memory_space<hbm>>
    %dma_start3A_73 = tpu.memref_slice %arg3[%mul3A_69] : memref<512xf32, #tpu.memory_space<hbm>> -> memref<16xf32, #tpu.memory_space<hbm>>
    %dma_start3A_74 = arith.constant 0 : i32
    %dma_start3A_75 = tpu.memref_slice %arg4[%dma_start3A_74] : memref<10752xf32, #tpu.memory_space<vmem>> -> memref<16xf32, #tpu.memory_space<vmem>>
    tpu.enqueue_dma source(%dma_start3A_75 : memref<16xf32, #tpu.memory_space<vmem>>) target(%dma_start3A_73 : memref<16xf32, #tpu.memory_space<hbm>>) target_semaphore(%arg11 : memref<!tpu.dma_semaphore, #tpu.memory_space<semaphore_mem>>)
    %mul3A_76 = arith.constant 16 : i32
    %mul3A_77 = arith.muli %add3A, %mul3A_76 : i32
    %dma_wait3A = arith.constant 0 : i32
    %dma_wait3A_78 = tpu.memref_slice %arg4[%dma_wait3A] : memref<10752xf32, #tpu.memory_space<vmem>> -> memref<16xf32, #tpu.memory_space<vmem>>
    %dma_wait3A_79 = tpu.memref_slice %arg3[%mul3A_77] : memref<512xf32, #tpu.memory_space<hbm>> -> memref<16xf32, #tpu.memory_space<hbm>>
    %dma_wait3A_80 = tpu.memref_slice %arg3[%mul3A_77] : memref<512xf32, #tpu.memory_space<hbm>> -> memref<16xf32, #tpu.memory_space<hbm>>
    %dma_wait3A_81 = arith.constant 0 : i32
    %dma_wait3A_82 = tpu.memref_slice %arg4[%dma_wait3A_81] : memref<10752xf32, #tpu.memory_space<vmem>> -> memref<16xf32, #tpu.memory_space<vmem>>
    tpu.wait_dma2 semaphore(%arg11 : memref<!tpu.dma_semaphore, #tpu.memory_space<semaphore_mem>>) src(%dma_wait3A_82 : memref<16xf32, #tpu.memory_space<vmem>>) dst(%dma_wait3A_80 : memref<16xf32, #tpu.memory_space<hbm>>)
    return
  }
}

</mosaic_0001>

<sc_bundles>
// kernel: _topk_mask.3.cloned.1.call-start
scs
__scs_entry_jumppad:
0x0: {  	(pc) =	sbr.rel $0x88, $3  }
0x1: {  	(tag) =	ssettag $0x0;
	lr =	simm.s32 $0x1  }
0x2: {  	[smem:$0x3FA0] =	sst lr;
	_ =	strace $0xD0000000  }
0x3: {  	_ = 	snop  }
0x4: {  	_ = 	snop  }
0x5: {  	_ = 	snop  }
0x6: {  	_ = 	snop  }
0x7: {  	_ = 	snop  }
__scs_overlays_trampoline_lowered:
0x8: {  	[smem:$0x3FAF] =	sst s0  }
0x9: {  	[smem:$0x3FB0] =	sst s1  }
0xa: {  	[smem:$0x3FB1] =	sst s2  }
0xb: {  	[smem:$0x3FB2] =	sst s3  }
0xc: {  	[smem:$0x3FB3] =	sst s4  }
0xd: {  	[smem:$0x3FB4] =	sst s5  }
0xe: {  	[smem:$0x3FB5] =	sst s6  }
0xf: {  	[smem:$0x3FB6] =	sst s7  }
0x10: {  	[smem:$0x3FB7] =	sst s8  }
0x11: {  	[smem:$0x3FB8] =	sst s9;
	s0 =	simm.s32 @!p0 $0x0  }
0x12: {  	s1 =	sld [smem:$0x3F9E];
	s0 =	simm.s32 @p0 $0x1  }
0x13: {  	[smem:$0x3FB9] =	sst s0;
	s0 =	simm.s32 @!p1 $0x0  }
0x14: {  	s2 =	sld [smem:$0x3F9D];
	s0 =	simm.s32 @p1 $0x1  }
0x15: {  	[smem:$0x3FBA] =	sst s0;
	s0 =	simm.s32 @!p2 $0x0  }
0x16: {  	s3 =	sld [smem:$0x3FDB];
	s0 =	simm.s32 @p2 $0x1  }
0x17: {  	s4 =	simm.s32 $0x1BF5;
	[smem:$0x3FBC] =	sst s0  }
0x18: {  	s0 =	sld [smem:$0x3F9F];
	_ =	swait.ge [sflag:s4], $0x0  }
0x19: {  	s7 =	sld [smem:$0x3FA0]  }
0x1a: {  	s8 =	sadd.s32 $0xFFFFE003, lr  }
0x1b: {  	s9 =	sadd.s32 $0xFFFFFEF7, lr;
	s5 =	simm.s32 $0xFFFFFFFF;
	p2 =	slt.u32 s8, $0xFFFFF086  }
0x1c: {  	p1 =	slt.u32 s9, $0xF7A;
	s5 =	simm.s32 @!p2 $0x0  }
0x1d: {  	s5 =	simm.s32 @p1 $0x1;
	p0 =	seq.s32 s7, s2  }
0x1e: {  	s7 =	smul.u32 @!p0 $0xF7A, s2;
	p2 =	seq.s32 @!p0 s5, $0x0  }
0x1f: {  	s9 =	smul.u32 $0xF7A, s1;
	s8 =	simm.s32 @!p0 $0x1BF5;
	p2 =	por !p2, p0  }
0x20: {  	[sflag:s8] =	ssyncset.s32 @!p0 $0xFFFFF086;
	s6 =	sadd.s32 @!p0 s3, s7;
	s7 =	simm.s32 @!p0 $0x108  }
0x21: {  	s3 =	sadd.s32 s3, s9;
	s6 =	sadd.s32 @!p0 $0x88, s6;
	s7 =	simm.s32 @p2 $0x1082  }
0x22: {  	[simem:s7], [sflag:s8] =	dma.local @!p0 [hbm:s6], $0xF7A  }
0x23: {  	s9 =	sor.u32 $0xD0000000, s2;
	s6 =	simm.s32 $0x108;
	_ =	swait.ge @!p0 [sflag:s8], $0x0  }
0x24: {  	s3 =	sadd.s32 $0x88, s3;
	s6 =	simm.s32 @!p1 $0x1082;
	[sflag:s4] =	ssyncset.s32 $0xFFFFF086  }
0x25: {  	[simem:s6], [sflag:s4] =	dma.local [hbm:s3], $0xF7A  }
0x26: {  	[smem:$0x3FA0] =	sst s1;
	(tag) =	ssettag s2;
	_ =	strace s9  }
0x27: {  	s1 =	sld [smem:$0x3FB0]  }
0x28: {  	s2 =	sld [smem:$0x3FB1]  }
0x29: {  	s4 =	sld [smem:$0x3FB3]  }
0x2a: {  	p0 =	seq.s32 s5, $0x0;
	s5 =	sld [smem:$0x3FB4]  }
0x2b: {  	s6 =	sld [smem:$0x3FB5]  }
0x2c: {  	s7 =	sld [smem:$0x3FB6]  }
0x2d: {  	s3 =	simm.s32 $0x108;
	s8 =	sld [smem:$0x3FB7]  }
0x2e: {  	s3 =	simm.s32 @!p0 $0x1082;
	s9 =	sld [smem:$0x3FB8]  }
0x2f: {  	lr =	sadd.s32 s0, s3;
	s0 =	sld [smem:$0x3FAF]  }
0x30: {  	s3 =	sld [smem:$0x3FB2]  }
0x31: {  	[smem:$0x3FBB] =	sst s10  }
0x32: {  	s10 =	sld [smem:$0x3FB9];
	_ =	sdelay $0x3  }
0x33: {  	p0 =	seq.s32 s10, $0x1;
	s10 =	sld [smem:$0x3FBB];
	_ =	sdelay $0x3  }
0x34: {  	[smem:$0x3FBB] =	sst s10  }
0x35: {  	s10 =	sld [smem:$0x3FBA];
	_ =	sdelay $0x3  }
0x36: {  	p1 =	seq.s32 s10, $0x1;
	s10 =	sld [smem:$0x3FBB];
	_ =	sdelay $0x3  }
0x37: {  	[smem:$0x3FBB] =	sst s10  }
0x38: {  	s10 =	sld [smem:$0x3FBC]  }
0x39: {  	_ = 	snop;
	(pc) =	sbr.ind lr, $3  }
0x3a: {  	_ = 	snop  }
0x3b: {  	_ = 	snop  }
0x3c: {  	p2 =	seq.s32 s10, $0x1;
	s10 =	sld [smem:$0x3FBB]  }
0x3d: {  	_ =	shalt  }
0x3e: {  	_ =	shalt  }
0x3f: {  	_ =	shalt  }
0x40: {  	_ =	shalt  }
0x41: {  	_ =	shalt  }
0x42: {  	_ =	shalt  }
0x43: {  	_ =	shalt  }
0x44: {  	_ =	shalt  }
0x45: {  	_ =	shalt  }
0x46: {  	_ =	shalt  }
0x47: {  	_ =	shalt  }
0x48: {  	_ =	shalt  }
0x49: {  	_ =	shalt  }
0x4a: {  	_ =	shalt  }
0x4b: {  	_ =	shalt  }
0x4c: {  	_ =	shalt  }
0x4d: {  	_ =	shalt  }
0x4e: {  	_ =	shalt  }
0x4f: {  	_ =	shalt  }
0x50: {  	_ =	shalt  }
0x51: {  	_ =	shalt  }
0x52: {  	_ =	shalt  }
0x53: {  	_ =	shalt  }
0x54: {  	_ =	shalt  }
0x55: {  	_ =	shalt  }
0x56: {  	_ =	shalt  }
0x57: {  	_ =	shalt  }
0x58: {  	_ =	shalt  }
0x59: {  	_ =	shalt  }
0x5a: {  	_ =	shalt  }
0x5b: {  	_ =	shalt  }
0x5c: {  	_ =	shalt  }
0x5d: {  	_ =	shalt  }
0x5e: {  	_ =	shalt  }
0x5f: {  	_ =	shalt  }
0x60: {  	_ =	shalt  }
0x61: {  	_ =	shalt  }
0x62: {  	_ =	shalt  }
0x63: {  	_ =	shalt  }
0x64: {  	_ =	shalt  }
0x65: {  	_ =	shalt  }
0x66: {  	_ =	shalt  }
0x67: {  	_ =	shalt  }
0x68: {  	_ =	shalt  }
0x69: {  	_ =	shalt  }
0x6a: {  	_ =	shalt  }
0x6b: {  	_ =	shalt  }
0x6c: {  	_ =	shalt  }
0x6d: {  	_ =	shalt  }
0x6e: {  	_ =	shalt  }
0x6f: {  	_ =	shalt  }
0x70: {  	_ =	shalt  }
0x71: {  	_ =	shalt  }
0x72: {  	_ =	shalt  }
0x73: {  	_ =	shalt  }
0x74: {  	_ =	shalt  }
0x75: {  	_ =	shalt  }
0x76: {  	_ =	shalt  }
0x77: {  	_ =	shalt  }
0x78: {  	_ =	shalt  }
0x79: {  	_ =	shalt  }
0x7a: {  	_ =	shalt  }
0x7b: {  	_ =	shalt  }
0x7c: {  	_ =	shalt  }
0x7d: {  	_ =	shalt  }
0x7e: {  	_ =	shalt  }
0x7f: {  	_ =	shalt  }
0x80: {  	_ =	shalt  }
0x81: {  	_ =	shalt  }
0x82: {  	_ =	shalt  }
0x83: {  	_ =	shalt  }
0x84: {  	_ =	shalt  }
0x85: {  	_ =	shalt  }
0x86: {  	_ =	shalt  }
0x87: {  	_ =	shalt  }
.Lfunc_end0:
.L_simem_size_0:
called_computation_lowered:
.L_overlay_start_0:
0x88: {  	s2 =	sld [smem:$0x3FD9]  }
0x89: {  	s3 =	sld [smem:$0x3FFE];
	_ =	sdelay $0x1  }
0x8a: {  	s1 =	srdreg.scid  }
0x8b: {  	s0 =	sand.u32 $0x1, s1  }
0x8c: {  	s18 =	sshll.u32 s0, $0xA;
	s2 =	sadd.s32 s3, s2  }
0x8d: {  	s2 =	sadd.s32 s2, s18  }
0x8e: {  	[smem:$0x3FC7] =	sst s2  }
0x8f: {  	_ = 	snop  }
0x90: {  	s2 =	sld [smem:$0x3FC9]  }
0x91: {  	s19 =	sld [smem:$0x3FD0];
	(tm) =	ssettm $0x1  }
0x92: {  	s4 =	sld [smem:$0x3FFB];
	_ =	sdelay $0x3  }
0x93: {  	_ =	strace s4  }
0x94: {  	s4 =	sld [smem:$0x3FFC];
	_ =	sdelay $0x3  }
0x95: {  	_ =	strace s4  }
0x96: {  	s4 =	sld [smem:$0x3FFD];
	_ =	sdelay $0x3  }
0x97: {  	_ =	strace s4  }
0x98: {  	_ =	strace $0x8FFFFFFF  }
0x99: {  	s20 =	sld [smem:$0x3FDB];
	_ =	sdelay $0x1  }
0x9a: {  	s5 =	simm.s32 $_scs_section_size  }
0x9b: {  	s6 =	simm.s32 $_size__tile_overlayer_lowered;
	s7 =	simm.s32 $_tile_overlayer_lowered  }
0x9c: {  	s23 =	simm.s32 $0x1BFF;
	s22 =	sshll.u32 s7, $0x1;
	s4 =	sadd.s32 s5, s20  }
0x9d: {  	s8 =	simm.s32 $0x0;
	s21 =	sshll.u32 s6, $0x1;
	s6 =	sadd.s32 s22, s4  }
0x9e: {  	[timem:s8], [sflag:s23] =	dma.local [hbm:s6], s21  }
0x9f: {  	_ =	swait.ge [sflag:s23], s21  }
0xa0: {  	s5 =	ssub.s32 $0x0, s21;
	[sflag:s23] =	ssyncset.done $0x0  }
0xa1: {  	[sflag:s23] =	ssyncadd.s32 s5;
	_ =	sdelay $0x1  }
0xa2: {  	s24 =	simm.s32 $0x1B8B  }
0xa3: {  	_ =	swait.ge [sflag:s24], $0x1  }
0xa4: {  	[sflag:s24] =	ssyncset.done $0x0  }
0xa5: {  	s25 =	simm.s32 $0x1B8E;
	[sflag:s24] =	ssyncadd.s32 $0xFFFFFFFF  }
0xa6: {  	s26 =	simm.s32 $execute0_lowered;
	[smem:$0x3FD2] =	sst s25  }
0xa7: {  	s5 =	sshll.u32 s26, $0x1;
	_ =	strace $0x80000046;
	[dreg:$0x1] =	wrdreg $0xFFFFFFFF  }
0xa8: {  	s28 =	simm.s32 $_size_execute0_lowered;
	s4 =	sadd.s32 s4, s5;
	[dreg:$0x0] =	wrdreg $0x0  }
0xa9: {  	s5 =	sshll.u32 s28, $0x1;
	[dreg:$0x2] =	wrdreg s4  }
0xaa: {  	[dreg:$0x3] =	wrdreg s5  }
0xab: {  	[dreg:$0x4] =	wrdreg $0xC0  }
0xac: {  	_ =	task [dreg:s8], $0x5FFFF  }
0xad: {  	[dreg:$0x1] =	wrdreg $0xFFFFFFFF  }
0xae: {  	[dreg:$0x0] =	wrdreg $0x60  }
0xaf: {  	[dreg:$0x2] =	wrdreg s2  }
0xb0: {  	[dreg:$0x3] =	wrdreg s19  }
0xb1: {  	[dreg:$0x4] =	wrdreg $0x9  }
0xb2: {  	_ =	task.clear_ibuf [dreg:s8], $0x5FFFF;
	_ =	strace $0x90000046  }
0xb3: {  	s29 =	simm.s32 $0x9;
	_ =	strace $0x80000048  }
0xb4: {  	_ =	swait.ge [sflag:s29], $0x1  }
0xb5: {  	[sflag:s29] =	ssyncadd.s32 $0xFFFFFFFF  }
0xb6: {  	_ =	strace $0x90000048  }
0xb7: {  	_ =	sfence  }
0xb8: {  	s30 =	sld [smem:$0x0];
	_ =	sdelay $0x2  }
0xb9: {  	s31 =	sshll.u32 s1, $0xD;
	s1 =	sshrl.u32 s1, $0x2  }
0xba: {  	s3 =	sand.u32 $0x4000, s31;
	s1 =	sadd.s32 s1, s30  }
0xbb: {  	s0 =	sor.u32 s3, s0;
	s1 =	sshll.u32 s1, $0x11  }
0xbc: {  	s0 =	sor.u32 s1, s0  }
0xbd: {  	s0 =	sadd.s32 $0x8F2B, s0  }
0xbe: {  	[sflag:s0] =	ssyncadd.remote.s32 $0x1  }
0xbf: {  	_ =	sfence.sel $0xFFFF  }
0xc0: {  	[dreg:$0x0] =	wrdreg $0xFFFFFFFF;
	(pc) =	sbr.abs _section_cstart, $3  }
0xc1: {  	[dreg:$0x1] =	wrdreg $0xFFFFFFFF  }
0xc2: {  	_ =	task.clear_ibuf [dreg:s8], $0x2FFFF;
	_ =	strace $0x9FFFFFFF  }
0xc3: {  	(tm) =	ssettm $0x7FFFFFFF  }
tec
execute0_lowered:
.L_overlay_start_1:
0x0: {  	(tag) =	ssettag $0x1  }
0x1: {  	s0 =	srdreg.scid  }
0x2: {  	s4 =	stileid.u32;
	s2 =	rddreg [dreg:$0x0]  }
0x3: {  	s3 =	rddreg [dreg:$0x1];
	s6 =	simm.s32 $0x0;
	s9 =	simm.s32 $0x80  }
0x4: {  	s10 =	simm.s32 $0x400;
	s11 =	simm.s32 $0x1;
	s12 =	simm.s32 $0x2A00  }
0x5: {  	s13 =	simm.s32 $0x5400;
	s14 =	simm.s32 $0x2;
	s15 =	simm.s32 $0x16400  }
0x6: {  	s17 =	simm.s32 $0x0;
	s0 =	sand.u32 $0x1, s0;
	s1 =	sshll.u32 s4, $0x1  }
0x7: {  	s4 =	sshrl.u32 s4, $0x2;
	[smem:$0x7FF] =	sst s6;
	s1 =	sor.u32 s0, s1  }
0x8: {  	s4 =	smul.u32 $0x498000, s4;
	s0 =	ssub.s32 $0x2, s0;
	_ =	strace $0x80000047  }
.Ltmp0:
0x9: {  	s5 =	sshll.u32 s1, $0x7;
	s1 =	sshll.u32 s1, $0x1;
	(pc) =	sbr.rel .LBB2_1-.Ltmp0, $4  }
0xa: {  	s31 =	sshrl.u32 s0, $0x1;
	s5 =	sand.u32 $0x380, s5;
	s1 =	sadd.s32 s3, s1  }
0xb: {  	s0 =	ssub.s32 s0, s31;
	s7 =	sor.u32 s4, s5;
	[dreg:$0x3] =	wrdreg s1  }
0xc: {  	v0 =	vlaneseq.u32;
	v1 =	vimm.s32 $0x0;
	v3 =	vimm.s32 $0x1;
	s0 =	smax.u32 s0, $0x1;
	s4 =	sshrl.u32 s7, $0x3;
	s5 =	sadd.s32 $0x15000, s7  }
0xd: {  	v2 =	vor.u32 $0x8000, v0;
	v4 =	vmul.u32 $0x10, v0;
	v5 =	vor.u32 $0x80000000, v0;
	s6 =	sadd.s32 $0x2A000, s7;
	[dreg:$0x4] =	wrdreg s0;
	s4 =	sadd.s32 s2, s4  }
.LBB2_26:
0xe: {  	s0 =	sxor.u32 $0x7FFFFFFF, s26;
	p0 =	slt.s32 s26, $0x0  }
0xf: {  	s26 =	smov.u32 @p0 s0  }
0x10: {  	v6 =	vmov s26  }
0x11: {  	v6 =	vbroadcast v6, $0x0;
	_ =	sdelay $0x1  }
0x12: {  	s29 =	simm.s32 $0x0;
	s1 =	rddreg [dreg:$0x3];
	s30 =	simm.s32 $0x3;
	[tilespmem:$0x0] =	vst v6  }
0x13: {  	[hbm4b:s1+s29] =	stream.linear.scatter [tilespmem:s29], [sflag:$0x3], $0x10, $0x38;
	[tilespmem:$0x1E400] =	vst v63  }
0x14: {  	_ =	swait.ge [sflag:s30], $0x10  }
0x15: {  	s17 =	sadd.s32 $0x1, s17;
	s31 =	rddreg [dreg:$0x4]  }
0x16: {  	p0 =	sne.s32 s17, s31  }
.Ltmp1:
0x17: {  	_ = 	snop;
	(pc) =	sbr.rel @!p0 .LBB2_27-.Ltmp1, $3  }
0x18: {  	_ =	sdelay $0x1  }
0x19: {  	[sflag:s30] =	ssyncset.done $0x0  }
0x1a: {  	[sflag:s30] =	ssyncadd.s32 $0xFFFFFFF0  }
.LBB2_1:
0x1b: {  	s0 =	simm.s32 $0x5440  }
0x1c: {  	[tilespmem:s0+$0xFFFFFFC0] =	vst v1  }
0x1d: {  	[tilespmem:s0+$0x30] =	vst v1  }
0x1e: {  	[tilespmem:s0+$0x20] =	vst v1  }
0x1f: {  	[tilespmem:s0+$0x10] =	vst v1  }
0x20: {  	[tilespmem:s0+$0x0] =	vst v1  }
0x21: {  	[tilespmem:s0+$0xFFFFFFF0] =	vst v1  }
0x22: {  	s1 =	simm.s32 $0x0;
	[tilespmem:s0+$0xFFFFFFE0] =	vst v1  }
.LBB2_2:
0x23: {  	s1 =	sadd.s32 $0x8, s1;
	[tilespmem:s0+$0xFFFFFFD0] =	vst v1;
	s0 =	sadd.s32 $0x80, s0  }
0x24: {  	[tilespmem:s0+$0xFFFFFFC0] =	vst v1;
	p0 =	slt.u32 s1, $0xFF8  }
0x25: {  	[tilespmem:s0+$0x30] =	vst v1  }
.Ltmp2:
0x26: {  	[tilespmem:s0+$0x20] =	vst v1;
	(pc) =	sbr.rel @p0 .LBB2_2-.Ltmp2, $4  }
0x27: {  	[tilespmem:s0+$0x10] =	vst v1  }
0x28: {  	[tilespmem:s0+$0x0] =	vst v1  }
0x29: {  	[tilespmem:s0+$0xFFFFFFF0] =	vst v1  }
0x2a: {  	[tilespmem:s0+$0xFFFFFFE0] =	vst v1  }
0x2b: {  	[tilespmem:s0+$0xFFFFFFD0] =	vst v1;
	s18 =	simm.s32 $0x0  }
0x2c: {  	[tilespmem:s18], [sflag:$0x1] =	stream.strided.gather [hbm4b:s4+s9], $0x2A00, s10, s9, $0x38;
	[tilespmem:$0x1E400] =	vst v63  }
.LBB2_4:
0x2d: {  	s19 =	smul.u32 $0x2A000, s18;
	_ =	sdelay $0x1  }
0x2e: {  	_ =	swait.ge [sflag:s11], $0x2A00;
	s0 =	sadd.s32 s19, s5  }
0x2f: {  	[sflag:s11] =	ssyncset.done $0x0;
	s0 =	sshrl.u32 s0, $0x3  }
0x30: {  	s31 =	simm.s32 $0x40;
	[sflag:s11] =	ssyncadd.s32 $0xFFFFD600;
	s0 =	sadd.s32 s2, s0  }
0x31: {  	[tilespmem:s12], [sflag:$0x2] =	stream.strided.gather [hbm4b:s0+s9], $0x2A00, s10, s9, $0x38;
	[tilespmem:$0x1E400] =	vst v63  }
0x32: {  	v6 =	vld [tilespmem:s31+$0x30]  }
0x33: {  	v8 =	vld [tilespmem:s31+$0xFFFFFFE0]  }
0x34: {  	v9 =	vld [tilespmem:s31+$0x0]  }
0x35: {  	v7 =	vld [tilespmem:s31+$0xFFFFFFC0]  }
0x36: {  	v11 =	vld [tilespmem:s31+$0x20]  }
0x37: {  	v12 =	vld [tilespmem:s31+$0xFFFFFFF0];
	_ =	sdelay $0x1  }
0x38: {  	v10 =	vshra.s32 v8, $0x1F;
	v13 =	vshra.s32 v9, $0x1F;
	v14 =	vshra.s32 v6, $0x1F  }
0x39: {  	v10 =	vand.u32 $0x7FF00000, v10;
	v15 =	vand.u32 $0x7FF00000, v13;
	v13 =	vshra.s32 v7, $0x1F  }
0x3a: {  	v14 =	vand.u32 $0x7FF00000, v14;
	v10 =	vxor.u32 v8, v10;
	v8 =	vld [tilespmem:s31+$0x10];
	v9 =	vxor.u32 v9, v15  }
0x3b: {  	v15 =	vshra.s32 v11, $0x1F;
	v6 =	vxor.u32 v6, v14;
	v14 =	vshra.s32 v12, $0x1F  }
0x3c: {  	v9 =	vshra.s32 v9, $0x10;
	v15 =	vand.u32 $0x7FF00000, v15;
	v6 =	vshra.s32 v6, $0x10  }
0x3d: {  	v9 =	vand.u32 $0xFFFFFFF0, v9;
	v15 =	vxor.u32 v11, v15;
	v16 =	vand.u32 $0xFFFFFFF0, v6;
	v6 =	vld [tilespmem:s31+$0xFFFFFFD0]  }
0x3e: {  	v11 =	vadd.s32 v2, v9;
	v9 =	vand.u32 $0x7FF00000, v14;
	v14 =	vshra.s32 v15, $0x10  }
0x3f: {  	s20 =	simm.s32 $0x0;
	s21 =	simm.s32 $0xC0;
	v12 =	vxor.u32 v12, v9;
	v9 =	vadd.s32 v2, v16;
	v15 =	vshra.s32 v8, $0x1F  }
.LBB2_5:
0x40: {  	v16 =	vld [tilespmem:s21+$0x30];
	s20 =	sadd.s32 $0x8, s20;
	v13 =	vand.u32 $0x7FF00000, v13;
	v10 =	vshra.s32 v10, $0x10;
	v15 =	vand.u32 $0x7FF00000, v15  }
0x41: {  	v17 =	vld [tilespmem:s21+$0xFFFFFFE0];
	p0 =	slt.u32 s20, $0x298;
	v7 =	vxor.u32 v7, v13;
	v10 =	vand.u32 $0xFFFFFFF0, v10;
	v8 =	vxor.u32 v8, v15  }
0x42: {  	v13 =	vshra.s32 v6, $0x1F;
	v15 =	vld [tilespmem:s21+$0x0];
	v18 =	vadd.s32 v2, v10;
	v8 =	vshra.s32 v8, $0x10  }
0x43: {  	v10 =	vand.u32 $0x7FF00000, v13;
	[tilespmem:v11+s13+$0x0] =	vst.idx.add.s32.msk $0xffff, v3;
	v8 =	vand.u32 $0xFFFFFFF0, v8;
	v11 =	vand.u32 $0xFFFFFFF0, v14  }
0x44: {  	v13 =	vshra.s32 v7, $0x10;
	v14 =	vld [tilespmem:s21+$0x20];
	v19 =	vadd.s32 v2, v8;
	v11 =	vadd.s32 v2, v11  }
0x45: {  	v12 =	vshra.s32 v12, $0x10;
	v10 =	vxor.u32 v6, v10;
	v8 =	vand.u32 $0xFFFFFFF0, v13;
	v7 =	vld [tilespmem:s21+$0xFFFFFFC0]  }
0x46: {  	v20 =	vadd.s32 v2, v8;
	v8 =	vand.u32 $0xFFFFFFF0, v12;
	v6 =	vld [tilespmem:s21+$0xFFFFFFD0];
	v13 =	vshra.s32 v17, $0x1F  }
0x47: {  	v10 =	vshra.s32 v10, $0x10;
	v21 =	vadd.s32 v2, v8;
	v12 =	vand.u32 $0x7FF00000, v13;
	[tilespmem:v9+s13+$0x0] =	vst.idx.add.s32.msk $0xffff, v3  }
0x48: {  	v22 =	vshra.s32 v16, $0x1F;
	v8 =	vshra.s32 v15, $0x1F;
	v13 =	vand.u32 $0xFFFFFFF0, v10;
	v9 =	vld [tilespmem:s21+$0xFFFFFFF0]  }
0x49: {  	v10 =	vxor.u32 v17, v12;
	v12 =	vand.u32 $0x7FF00000, v8;
	v17 =	vadd.s32 v2, v13;
	v8 =	vld [tilespmem:s21+$0x10]  }
0x4a: {  	v12 =	vxor.u32 v15, v12;
	v15 =	vshra.s32 v14, $0x1F;
	v13 =	vshra.s32 v7, $0x1F;
	[tilespmem:v11+s13+$0x0] =	vst.idx.add.s32.msk $0xffff, v3  }
.Ltmp3:
0x4b: {  	v11 =	vshra.s32 v12, $0x10;
	v12 =	vand.u32 $0x7FF00000, v15;
	v15 =	vand.u32 $0x7FF00000, v22;
	[tilespmem:v18+s13+$0x0] =	vst.idx.add.s32.msk $0xffff, v3;
	(pc) =	sbr.rel @p0 .LBB2_5-.Ltmp3, $4  }
0x4c: {  	v11 =	vand.u32 $0xFFFFFFF0, v11;
	v12 =	vxor.u32 v14, v12;
	v14 =	vxor.u32 v16, v15;
	[tilespmem:v19+s13+$0x0] =	vst.idx.add.s32.msk $0xffff, v3  }
0x4d: {  	v11 =	vadd.s32 v2, v11;
	v16 =	vshra.s32 v14, $0x10;
	v15 =	vshra.s32 v9, $0x1F;
	[tilespmem:v20+s13+$0x0] =	vst.idx.add.s32.msk $0xffff, v3  }
0x4e: {  	v14 =	vshra.s32 v12, $0x10;
	v16 =	vand.u32 $0xFFFFFFF0, v16;
	v15 =	vand.u32 $0x7FF00000, v15;
	[tilespmem:v17+s13+$0x0] =	vst.idx.add.s32.msk $0xffff, v3  }
0x4f: {  	s21 =	sadd.s32 $0x80, s21;
	v12 =	vxor.u32 v9, v15;
	v15 =	vshra.s32 v8, $0x1F;
	v9 =	vadd.s32 v2, v16;
	[tilespmem:v21+s13+$0x0] =	vst.idx.add.s32.msk $0xffff, v3  }
0x50: {  	_ =	sdelay $0x2  }
0x51: {  	v13 =	vand.u32 $0x7FF00000, v13;
	v10 =	vshra.s32 v10, $0x10;
	v15 =	vand.u32 $0x7FF00000, v15  }
0x52: {  	v14 =	vand.u32 $0xFFFFFFF0, v14;
	[tilespmem:v11+s13+$0x0] =	vst.idx.add.s32.msk $0xffff, v3;
	v11 =	vshra.s32 v12, $0x10;
	v7 =	vxor.u32 v7, v13  }
0x53: {  	v10 =	vand.u32 $0xFFFFFFF0, v10;
	v8 =	vxor.u32 v8, v15;
	v13 =	vshra.s32 v6, $0x1F  }
0x54: {  	v14 =	vadd.s32 v2, v14;
	v11 =	vand.u32 $0xFFFFFFF0, v11;
	v10 =	vadd.s32 v2, v10  }
0x55: {  	v8 =	vshra.s32 v8, $0x10;
	v13 =	vand.u32 $0x7FF00000, v13;
	v7 =	vshra.s32 v7, $0x10  }
0x56: {  	[tilespmem:v9+s13+$0x0] =	vst.idx.add.s32.msk $0xffff, v3;
	v9 =	vadd.s32 v2, v11;
	v8 =	vand.u32 $0xFFFFFFF0, v8;
	v6 =	vxor.u32 v6, v13  }
0x57: {  	v7 =	vand.u32 $0xFFFFFFF0, v7;
	v8 =	vadd.s32 v2, v8;
	v6 =	vshra.s32 v6, $0x10  }
0x58: {  	v7 =	vadd.s32 v2, v7;
	v6 =	vand.u32 $0xFFFFFFF0, v6  }
0x59: {  	v6 =	vadd.s32 v2, v6;
	[tilespmem:v14+s13+$0x0] =	vst.idx.add.s32.msk $0xffff, v3  }
0x5a: {  	[tilespmem:v10+s13+$0x0] =	vst.idx.add.s32.msk $0xffff, v3  }
0x5b: {  	[tilespmem:v9+s13+$0x0] =	vst.idx.add.s32.msk $0xffff, v3  }
0x5c: {  	[tilespmem:v8+s13+$0x0] =	vst.idx.add.s32.msk $0xffff, v3  }
0x5d: {  	[tilespmem:v7+s13+$0x0] =	vst.idx.add.s32.msk $0xffff, v3  }
0x5e: {  	p0 =	seq.s32 s18, $0x1B;
	s31 =	simm.s32 $0x2A40;
	[tilespmem:v6+s13+$0x0] =	vst.idx.add.s32.msk $0xffff, v3  }
0x5f: {  	s0 =	sadd.s32 @!p0 s19, s6;
	s1 =	simm.s32 @!p0 $0x80;
	_ =	swait.ge [sflag:s14], $0x2A00  }
0x60: {  	s3 =	simm.s32 @!p0 $0x400;
	s0 =	sshrl.u32 @!p0 s0, $0x3;
	[sflag:s14] =	ssyncset.done $0x0  }
0x61: {  	s7 =	simm.s32 @!p0 $0x0;
	s0 =	sadd.s32 @!p0 s2, s0;
	[sflag:s14] =	ssyncadd.s32 $0xFFFFD600  }
0x62: {  	[tilespmem:s7], [sflag:$0x1] =	stream.strided.gather @!p0 [hbm4b:s0+s1], $0x2A00, s3, s1, $0x38;
	[tilespmem:$0x1E400] =	vst v63  }
0x63: {  	v6 =	vld [tilespmem:s31+$0x30]  }
0x64: {  	v8 =	vld [tilespmem:s31+$0xFFFFFFE0]  }
0x65: {  	v9 =	vld [tilespmem:s31+$0x0]  }
0x66: {  	v7 =	vld [tilespmem:s31+$0xFFFFFFC0]  }
0x67: {  	v11 =	vld [tilespmem:s31+$0x20]  }
0x68: {  	v12 =	vld [tilespmem:s31+$0xFFFFFFF0];
	_ =	sdelay $0x1  }
0x69: {  	v10 =	vshra.s32 v8, $0x1F;
	v13 =	vshra.s32 v9, $0x1F;
	v14 =	vshra.s32 v6, $0x1F  }
0x6a: {  	v10 =	vand.u32 $0x7FF00000, v10;
	v15 =	vand.u32 $0x7FF00000, v13;
	v13 =	vshra.s32 v7, $0x1F  }
0x6b: {  	v14 =	vand.u32 $0x7FF00000, v14;
	v10 =	vxor.u32 v8, v10;
	v8 =	vld [tilespmem:s31+$0x10];
	v9 =	vxor.u32 v9, v15  }
0x6c: {  	v15 =	vshra.s32 v11, $0x1F;
	v6 =	vxor.u32 v6, v14;
	v14 =	vshra.s32 v12, $0x1F  }
0x6d: {  	v9 =	vshra.s32 v9, $0x10;
	v15 =	vand.u32 $0x7FF00000, v15;
	v6 =	vshra.s32 v6, $0x10  }
0x6e: {  	v9 =	vand.u32 $0xFFFFFFF0, v9;
	v15 =	vxor.u32 v11, v15;
	v16 =	vand.u32 $0xFFFFFFF0, v6;
	v6 =	vld [tilespmem:s31+$0xFFFFFFD0]  }
0x6f: {  	v11 =	vadd.s32 v2, v9;
	v9 =	vand.u32 $0x7FF00000, v14;
	v14 =	vshra.s32 v15, $0x10  }
0x70: {  	s20 =	simm.s32 $0x2AC0;
	s19 =	simm.s32 $0x0;
	v12 =	vxor.u32 v12, v9;
	v9 =	vadd.s32 v2, v16;
	v15 =	vshra.s32 v8, $0x1F  }
.LBB2_7:
0x71: {  	v16 =	vld [tilespmem:s20+$0x30];
	s19 =	sadd.s32 $0x8, s19;
	v13 =	vand.u32 $0x7FF00000, v13;
	v10 =	vshra.s32 v10, $0x10;
	v15 =	vand.u32 $0x7FF00000, v15  }
0x72: {  	v17 =	vld [tilespmem:s20+$0xFFFFFFE0];
	p0 =	slt.u32 s19, $0x298;
	v7 =	vxor.u32 v7, v13;
	v10 =	vand.u32 $0xFFFFFFF0, v10;
	v8 =	vxor.u32 v8, v15  }
0x73: {  	v13 =	vshra.s32 v6, $0x1F;
	v15 =	vld [tilespmem:s20+$0x0];
	v18 =	vadd.s32 v2, v10;
	v8 =	vshra.s32 v8, $0x10  }
0x74: {  	v10 =	vand.u32 $0x7FF00000, v13;
	[tilespmem:v11+s13+$0x0] =	vst.idx.add.s32.msk $0xffff, v3;
	v8 =	vand.u32 $0xFFFFFFF0, v8;
	v11 =	vand.u32 $0xFFFFFFF0, v14  }
0x75: {  	v13 =	vshra.s32 v7, $0x10;
	v14 =	vld [tilespmem:s20+$0x20];
	v19 =	vadd.s32 v2, v8;
	v11 =	vadd.s32 v2, v11  }
0x76: {  	v12 =	vshra.s32 v12, $0x10;
	v10 =	vxor.u32 v6, v10;
	v8 =	vand.u32 $0xFFFFFFF0, v13;
	v7 =	vld [tilespmem:s20+$0xFFFFFFC0]  }
0x77: {  	v20 =	vadd.s32 v2, v8;
	v8 =	vand.u32 $0xFFFFFFF0, v12;
	v6 =	vld [tilespmem:s20+$0xFFFFFFD0];
	v13 =	vshra.s32 v17, $0x1F  }
0x78: {  	v10 =	vshra.s32 v10, $0x10;
	v21 =	vadd.s32 v2, v8;
	v12 =	vand.u32 $0x7FF00000, v13;
	[tilespmem:v9+s13+$0x0] =	vst.idx.add.s32.msk $0xffff, v3  }
0x79: {  	v22 =	vshra.s32 v16, $0x1F;
	v8 =	vshra.s32 v15, $0x1F;
	v13 =	vand.u32 $0xFFFFFFF0, v10;
	v9 =	vld [tilespmem:s20+$0xFFFFFFF0]  }
0x7a: {  	v10 =	vxor.u32 v17, v12;
	v12 =	vand.u32 $0x7FF00000, v8;
	v17 =	vadd.s32 v2, v13;
	v8 =	vld [tilespmem:s20+$0x10]  }
0x7b: {  	v12 =	vxor.u32 v15, v12;
	v15 =	vshra.s32 v14, $0x1F;
	v13 =	vshra.s32 v7, $0x1F;
	[tilespmem:v11+s13+$0x0] =	vst.idx.add.s32.msk $0xffff, v3  }
.Ltmp4:
0x7c: {  	v11 =	vshra.s32 v12, $0x10;
	v12 =	vand.u32 $0x7FF00000, v15;
	v15 =	vand.u32 $0x7FF00000, v22;
	[tilespmem:v18+s13+$0x0] =	vst.idx.add.s32.msk $0xffff, v3;
	(pc) =	sbr.rel @p0 .LBB2_7-.Ltmp4, $4  }
0x7d: {  	v11 =	vand.u32 $0xFFFFFFF0, v11;
	v12 =	vxor.u32 v14, v12;
	v14 =	vxor.u32 v16, v15;
	[tilespmem:v19+s13+$0x0] =	vst.idx.add.s32.msk $0xffff, v3  }
0x7e: {  	v11 =	vadd.s32 v2, v11;
	v16 =	vshra.s32 v14, $0x10;
	v15 =	vshra.s32 v9, $0x1F;
	[tilespmem:v20+s13+$0x0] =	vst.idx.add.s32.msk $0xffff, v3  }
0x7f: {  	v14 =	vshra.s32 v12, $0x10;
	v16 =	vand.u32 $0xFFFFFFF0, v16;
	v15 =	vand.u32 $0x7FF00000, v15;
	[tilespmem:v17+s13+$0x0] =	vst.idx.add.s32.msk $0xffff, v3  }
0x80: {  	s20 =	sadd.s32 $0x80, s20;
	v12 =	vxor.u32 v9, v15;
	v15 =	vshra.s32 v8, $0x1F;
	v9 =	vadd.s32 v2, v16;
	[tilespmem:v21+s13+$0x0] =	vst.idx.add.s32.msk $0xffff, v3  }
0x81: {  	_ = 	snop  }
0x82: {  	v13 =	vand.u32 $0x7FF00000, v13;
	v10 =	vshra.s32 v10, $0x10;
	v15 =	vand.u32 $0x7FF00000, v15  }
0x83: {  	v61 =	vshra.s32 v6, $0x1F;
	v14 =	vand.u32 $0xFFFFFFF0, v14;
	v62 =	vshra.s32 v12, $0x10  }
0x84: {  	v7 =	vxor.u32 v7, v13;
	v10 =	vand.u32 $0xFFFFFFF0, v10;
	v8 =	vxor.u32 v8, v15  }
0x85: {  	[tilespmem:v11+s13+$0x0] =	vst.idx.add.s32.msk $0xffff, v3;
	v13 =	vand.u32 $0x7FF00000, v61;
	v14 =	vadd.s32 v2, v14;
	v11 =	vand.u32 $0xFFFFFFF0, v62  }
0x86: {  	v10 =	vadd.s32 v2, v10;
	v8 =	vshra.s32 v8, $0x10;
	v7 =	vshra.s32 v7, $0x10  }
0x87: {  	v6 =	vxor.u32 v6, v13;
	v63 =	vadd.s32 v2, v11;
	v8 =	vand.u32 $0xFFFFFFF0, v8  }
0x88: {  	v7 =	vand.u32 $0xFFFFFFF0, v7;
	v6 =	vshra.s32 v6, $0x10;
	v8 =	vadd.s32 v2, v8  }
0x89: {  	[tilespmem:v9+s13+$0x0] =	vst.idx.add.s32.msk $0xffff, v3;
	s18 =	sadd.s32 $0x1, s18;
	v7 =	vadd.s32 v2, v7;
	v6 =	vand.u32 $0xFFFFFFF0, v6  }
0x8a: {  	p0 =	sne.s32 s18, $0x1C;
	v6 =	vadd.s32 v2, v6;
	[tilespmem:v14+s13+$0x0] =	vst.idx.add.s32.msk $0xffff, v3  }
.Ltmp5:
0x8b: {  	[tilespmem:v10+s13+$0x0] =	vst.idx.add.s32.msk $0xffff, v3;
	(pc) =	sbr.rel @p0 .LBB2_4-.Ltmp5, $4  }
0x8c: {  	[tilespmem:v63+s13+$0x0] =	vst.idx.add.s32.msk $0xffff, v3  }
0x8d: {  	[tilespmem:v8+s13+$0x0] =	vst.idx.add.s32.msk $0xffff, v3  }
0x8e: {  	[tilespmem:v7+s13+$0x0] =	vst.idx.add.s32.msk $0xffff, v3  }
0x8f: {  	[tilespmem:v6+s13+$0x0] =	vst.idx.add.s32.msk $0xffff, v3  }
0x90: {  	s0 =	simm.s32 $0x100  }
0x91: {  	s20 =	simm.s32 $0x101;
	v6 =	vor.u32 s0, v4  }
0x92: {  	s21 =	simm.s32 $0x102;
	v7 =	vor.u32 s20, v4  }
0x93: {  	s22 =	simm.s32 $0x103;
	v8 =	vor.u32 s21, v4  }
0x94: {  	s23 =	simm.s32 $0x104;
	v9 =	vor.u32 s22, v4  }
0x95: {  	s24 =	simm.s32 $0x105;
	v10 =	vor.u32 s23, v4  }
0x96: {  	s25 =	simm.s32 $0x106;
	v11 =	vor.u32 s24, v4;
	v6 =	vld.idx.msk [tilespmem:v6+s13+$0x0], $0xffff  }
0x97: {  	s26 =	simm.s32 $0x107;
	v12 =	vor.u32 s25, v4;
	v7 =	vld.idx.msk [tilespmem:v7+s13+$0x0], $0xffff  }
0x98: {  	s28 =	simm.s32 $0x108;
	v13 =	vor.u32 s26, v4;
	v8 =	vld.idx.msk [tilespmem:v8+s13+$0x0], $0xffff  }
0x99: {  	s29 =	simm.s32 $0x109;
	v14 =	vor.u32 s28, v4;
	v9 =	vld.idx.msk [tilespmem:v9+s13+$0x0], $0xffff  }
0x9a: {  	s30 =	simm.s32 $0x10A;
	v15 =	vor.u32 s29, v4;
	v10 =	vld.idx.msk [tilespmem:v10+s13+$0x0], $0xffff  }
0x9b: {  	s31 =	simm.s32 $0x10B;
	v16 =	vor.u32 s30, v4;
	v11 =	vld.idx.msk [tilespmem:v11+s13+$0x0], $0xffff  }
0x9c: {  	s1 =	simm.s32 $0x10C;
	v17 =	vor.u32 s31, v4;
	v12 =	vld.idx.msk [tilespmem:v12+s13+$0x0], $0xffff  }
0x9d: {  	s3 =	simm.s32 $0x10D;
	v18 =	vor.u32 s1, v4;
	v13 =	vld.idx.msk [tilespmem:v13+s13+$0x0], $0xffff  }
0x9e: {  	s7 =	simm.s32 $0x10E;
	v19 =	vor.u32 s3, v4;
	v14 =	vld.idx.msk [tilespmem:v14+s13+$0x0], $0xffff  }
0x9f: {  	s1 =	simm.s32 $0x10F;
	v20 =	vor.u32 s7, v4;
	v15 =	vld.idx.msk [tilespmem:v15+s13+$0x0], $0xffff  }
0xa0: {  	s8 =	simm.s32 $0x0;
	v6 =	vadd.s32 v6, v7;
	v7 =	vld.idx.msk [tilespmem:v16+s13+$0x0], $0xffff;
	v16 =	vor.u32 s1, v4  }
0xa1: {  	s16 =	simm.s32 $0x1;
	v21 =	vor.u32 s8, v4;
	v6 =	vadd.s32 v8, v6;
	v8 =	vld.idx.msk [tilespmem:v17+s13+$0x0], $0xffff  }
0xa2: {  	s18 =	simm.s32 $0x2;
	v17 =	vor.u32 s16, v4;
	v6 =	vadd.s32 v9, v6;
	v9 =	vld.idx.msk [tilespmem:v18+s13+$0x0], $0xffff  }
0xa3: {  	s19 =	simm.s32 $0x3;
	v18 =	vor.u32 s18, v4;
	v6 =	vadd.s32 v10, v6;
	v10 =	vld.idx.msk [tilespmem:v19+s13+$0x0], $0xffff  }
0xa4: {  	s22 =	simm.s32 $0x6;
	v19 =	vor.u32 s19, v4;
	v6 =	vadd.s32 v11, v6;
	v11 =	vld.idx.msk [tilespmem:v20+s13+$0x0], $0xffff  }
0xa5: {  	s20 =	simm.s32 $0x4;
	v63 =	vor.u32 s22, v4;
	v6 =	vadd.s32 v12, v6;
	v22 =	vld.idx.msk [tilespmem:v16+s13+$0x0], $0xffff  }
0xa6: {  	s21 =	simm.s32 $0x5;
	v20 =	vor.u32 s20, v4;
	v6 =	vadd.s32 v13, v6;
	v13 =	vld.idx.msk [tilespmem:v21+s13+$0x0], $0xffff  }
0xa7: {  	s23 =	simm.s32 $0x7;
	v12 =	vor.u32 s21, v4;
	v6 =	vadd.s32 v14, v6;
	v14 =	vld.idx.msk [tilespmem:v17+s13+$0x0], $0xffff  }
0xa8: {  	s24 =	simm.s32 $0x8;
	v23 =	vor.u32 s23, v4;
	v18 =	vld.idx.msk [tilespmem:v18+s13+$0x0], $0xffff;
	v6 =	vadd.s32 v15, v6  }
0xa9: {  	s25 =	simm.s32 $0x9;
	v24 =	vor.u32 s24, v4;
	v19 =	vld.idx.msk [tilespmem:v19+s13+$0x0], $0xffff;
	v6 =	vadd.s32 v7, v6  }
0xaa: {  	s26 =	simm.s32 $0xA;
	v25 =	vor.u32 s25, v4;
	v15 =	vld.idx.msk [tilespmem:v63+s13+$0x0], $0xffff;
	v6 =	vadd.s32 v8, v6  }
0xab: {  	s28 =	simm.s32 $0xB;
	v17 =	vld.idx.msk [tilespmem:v20+s13+$0x0], $0xffff;
	v7 =	vadd.s32 v9, v6;
	v9 =	vor.u32 s26, v4  }
0xac: {  	s29 =	simm.s32 $0xC;
	v16 =	vld.idx.msk [tilespmem:v12+s13+$0x0], $0xffff;
	v6 =	vor.u32 s28, v4;
	v8 =	vadd.s32 v10, v7  }
0xad: {  	s30 =	simm.s32 $0xD;
	s31 =	simm.s32 $0xE;
	v12 =	vld.idx.msk [tilespmem:v23+s13+$0x0], $0xffff;
	v7 =	vor.u32 s29, v4;
	v8 =	vadd.s32 v11, v8;
	v11 =	vadd.s32 v13, v14  }
0xae: {  	s3 =	simm.s32 $0xF;
	s22 =	simm.s32 $0x0;
	s20 =	simm.s32 $0x15410;
	v10 =	vor.u32 s30, v4;
	v13 =	vld.idx.msk [tilespmem:v24+s13+$0x0], $0xffff;
	v14 =	vadd.s32 v22, v8;
	v18 =	vadd.s32 v18, v11  }
0xaf: {  	s23 =	simm.s32 $0x30F;
	s19 =	simm.s32 $0xFF0;
	s21 =	simm.s32 $0x163F0;
	v11 =	vor.u32 s31, v4;
	v8 =	vor.u32 s3, v4;
	[tilespmem:s20+$0x0] =	vst v14;
	v18 =	vadd.s32 v19, v18;
	v14 =	vld.idx.msk [tilespmem:v25+s13+$0x0], $0xffff  }
.LBB2_10:
0xb0: {  	s0 =	sadd.s32 $0xFFFFFEF1, s23;
	s1 =	sadd.s32 $0xFFFFFEF2, s23;
	s3 =	sadd.s32 $0xFFFFFFF1, s23;
	v17 =	vadd.s32 v17, v18;
	v18 =	vld.idx.msk [tilespmem:v9+s13+$0x0], $0xffff  }
0xb1: {  	s22 =	sadd.s32 $0x2, s22;
	v19 =	vor.u32 s0, v4;
	v20 =	vor.u32 s1, v4;
	s0 =	sadd.s32 $0xFFFFFEF3, s23;
	v9 =	vor.u32 s3, v4;
	s1 =	sadd.s32 $0xFFFFFFF2, s23;
	v21 =	vld.idx.msk [tilespmem:v6+s13+$0x0], $0xffff  }
0xb2: {  	p0 =	slt.u32 s22, $0xFE;
	v6 =	vadd.s32 v16, v17;
	v22 =	vor.u32 s0, v4;
	s0 =	sadd.s32 $0xFFFFFEF4, s23;
	v23 =	vor.u32 s1, v4;
	s1 =	sadd.s32 $0xFFFFFFF3, s23;
	v16 =	vld.idx.msk [tilespmem:v7+s13+$0x0], $0xffff  }
0xb3: {  	s3 =	sadd.s32 $0xFFFFFEF6, s23;
	v15 =	vadd.s32 v15, v6;
	v17 =	vor.u32 s0, v4;
	s0 =	sadd.s32 $0xFFFFFEF5, s23;
	v24 =	vor.u32 s1, v4;
	s1 =	sadd.s32 $0xFFFFFFF4, s23;
	v25 =	vld.idx.msk [tilespmem:v10+s13+$0x0], $0xffff  }
0xb4: {  	v27 =	vor.u32 s3, v4;
	s3 =	sadd.s32 $0xFFFFFEF8, s23;
	v26 =	vor.u32 s0, v4;
	s0 =	sadd.s32 $0xFFFFFEF7, s23;
	v28 =	vor.u32 s1, v4;
	s1 =	sadd.s32 $0xFFFFFFF5, s23;
	v29 =	vld.idx.msk [tilespmem:v11+s13+$0x0], $0xffff  }
0xb5: {  	v31 =	vor.u32 s3, v4;
	s3 =	sadd.s32 $0xFFFFFEFA, s23;
	v30 =	vor.u32 s0, v4;
	s0 =	sadd.s32 $0xFFFFFEF9, s23;
	v32 =	vor.u32 s1, v4;
	s1 =	sadd.s32 $0xFFFFFFF6, s23;
	v33 =	vld.idx.msk [tilespmem:v8+s13+$0x0], $0xffff  }
0xb6: {  	v35 =	vor.u32 s3, v4;
	s3 =	sadd.s32 $0xFFFFFEFC, s23;
	v34 =	vor.u32 s0, v4;
	s0 =	sadd.s32 $0xFFFFFEFB, s23;
	v36 =	vld.idx.msk [tilespmem:v9+s13+$0x0], $0xffff;
	v37 =	vor.u32 s1, v4;
	s1 =	sadd.s32 $0xFFFFFFF7, s23  }
0xb7: {  	v6 =	vor.u32 s3, v4;
	s3 =	sadd.s32 $0xFFFFFEFE, s23;
	v9 =	vor.u32 s0, v4;
	s0 =	sadd.s32 $0xFFFFFEFD, s23;
	v23 =	vld.idx.msk [tilespmem:v23+s13+$0x0], $0xffff;
	v38 =	vor.u32 s1, v4;
	s1 =	sadd.s32 $0xFFFFFFF8, s23  }
0xb8: {  	s7 =	sadd.s32 $0xFFFFFF00, s23;
	v8 =	vadd.s32 v12, v15;
	v7 =	vor.u32 s0, v4;
	s0 =	sadd.s32 $0xFFFFFEFF, s23;
	v24 =	vld.idx.msk [tilespmem:v24+s13+$0x0], $0xffff;
	v39 =	vor.u32 s1, v4;
	s1 =	sadd.s32 $0xFFFFFFF9, s23  }
0xb9: {  	v10 =	vor.u32 s3, v4;
	v8 =	vadd.s32 v13, v8;
	v12 =	vld.idx.msk [tilespmem:v28+s13+$0x0], $0xffff;
	v15 =	vor.u32 s1, v4;
	s1 =	sadd.s32 $0xFFFFFFFA, s23  }
0xba: {  	v14 =	vadd.s32 v14, v8;
	v11 =	vor.u32 s0, v4;
	s0 =	sadd.s32 $0xFFFFFFFB, s23;
	v13 =	vld.idx.msk [tilespmem:v32+s13+$0x0], $0xffff;
	v28 =	vor.u32 s1, v4  }
0xbb: {  	v8 =	vor.u32 s7, v4;
	v14 =	vadd.s32 v18, v14;
	v32 =	vld.idx.msk [tilespmem:v37+s13+$0x0], $0xffff;
	v37 =	vor.u32 s0, v4;
	s0 =	sadd.s32 $0xFFFFFFFC, s23  }
0xbc: {  	v14 =	vadd.s32 v21, v14;
	v18 =	vld.idx.msk [tilespmem:v38+s13+$0x0], $0xffff;
	v38 =	vor.u32 s0, v4;
	s0 =	sadd.s32 $0xFFFFFFFD, s23  }
0xbd: {  	v14 =	vadd.s32 v16, v14;
	v21 =	vadd.s32 v36, v23;
	v23 =	vld.idx.msk [tilespmem:v39+s13+$0x0], $0xffff;
	v36 =	vor.u32 s0, v4;
	s0 =	sadd.s32 $0xFFFFFFFE, s23  }
0xbe: {  	v14 =	vadd.s32 v25, v14;
	v16 =	vadd.s32 v24, v21;
	v15 =	vld.idx.msk [tilespmem:v15+s13+$0x0], $0xffff;
	v21 =	vor.u32 s0, v4;
	s0 =	sadd.s32 $0xFFFFFFFF, s23  }
0xbf: {  	v14 =	vadd.s32 v29, v14;
	v12 =	vadd.s32 v12, v16;
	v16 =	vld.idx.msk [tilespmem:v28+s13+$0x0], $0xffff;
	v24 =	vor.u32 s0, v4  }
0xc0: {  	v25 =	vor.u32 s23, v4;
	v14 =	vadd.s32 v33, v14;
	v12 =	vadd.s32 v13, v12;
	v13 =	vld.idx.msk [tilespmem:v37+s13+$0x0], $0xffff  }
0xc1: {  	v12 =	vadd.s32 v32, v12;
	v28 =	vld.idx.msk [tilespmem:v38+s13+$0x0], $0xffff;
	[tilespmem:s20+$0xFFFFFFF0] =	vst v14  }
0xc2: {  	v12 =	vadd.s32 v18, v12;
	v14 =	vld.idx.msk [tilespmem:v36+s13+$0x0], $0xffff  }
0xc3: {  	v12 =	vadd.s32 v23, v12;
	v18 =	vld.idx.msk [tilespmem:v21+s13+$0x0], $0xffff  }
0xc4: {  	v12 =	vadd.s32 v15, v12;
	v15 =	vld.idx.msk [tilespmem:v24+s13+$0x0], $0xffff  }
0xc5: {  	v12 =	vadd.s32 v16, v12;
	v21 =	vld.idx.msk [tilespmem:v25+s13+$0x0], $0xffff  }
0xc6: {  	v12 =	vadd.s32 v13, v12;
	v19 =	vld.idx.msk [tilespmem:v19+s13+$0x0], $0xffff  }
0xc7: {  	v12 =	vadd.s32 v28, v12;
	v13 =	vld.idx.msk [tilespmem:v20+s13+$0x0], $0xffff  }
0xc8: {  	v12 =	vadd.s32 v14, v12;
	v20 =	vld.idx.msk [tilespmem:v22+s13+$0x0], $0xffff  }
0xc9: {  	v12 =	vadd.s32 v18, v12;
	v14 =	vld.idx.msk [tilespmem:v17+s13+$0x0], $0xffff  }
0xca: {  	v12 =	vadd.s32 v15, v12;
	v17 =	vld.idx.msk [tilespmem:v26+s13+$0x0], $0xffff  }
.Ltmp6:
0xcb: {  	s20 =	sadd.s32 $0x20, s20;
	v12 =	vadd.s32 v21, v12;
	v16 =	vld.idx.msk [tilespmem:v27+s13+$0x0], $0xffff;
	(pc) =	sbr.rel @p0 .LBB2_10-.Ltmp6, $4  }
0xcc: {  	s18 =	simm.s32 $0x0;
	v15 =	vld.idx.msk [tilespmem:v30+s13+$0x0], $0xffff;
	[tilespmem:s20+$0x0] =	vst v12  }
0xcd: {  	v13 =	vadd.s32 v19, v13;
	v12 =	vld.idx.msk [tilespmem:v31+s13+$0x0], $0xffff  }
0xce: {  	v18 =	vadd.s32 v20, v13;
	v13 =	vld.idx.msk [tilespmem:v34+s13+$0x0], $0xffff  }
0xcf: {  	s23 =	sadd.s32 $0x200, s23;
	v18 =	vadd.s32 v14, v18;
	v14 =	vld.idx.msk [tilespmem:v35+s13+$0x0], $0xffff  }
0xd0: {  	_ =	sdelay $0x2  }
0xd1: {  	v17 =	vadd.s32 v17, v18  }
0xd2: {  	v9 =	vld.idx.msk [tilespmem:v9+s13+$0x0], $0xffff;
	v16 =	vadd.s32 v16, v17  }
0xd3: {  	v6 =	vld.idx.msk [tilespmem:v6+s13+$0x0], $0xffff;
	v15 =	vadd.s32 v15, v16  }
0xd4: {  	v7 =	vld.idx.msk [tilespmem:v7+s13+$0x0], $0xffff;
	v12 =	vadd.s32 v12, v15  }
0xd5: {  	v10 =	vld.idx.msk [tilespmem:v10+s13+$0x0], $0xffff;
	v12 =	vadd.s32 v13, v12  }
0xd6: {  	v11 =	vld.idx.msk [tilespmem:v11+s13+$0x0], $0xffff;
	v12 =	vadd.s32 v14, v12  }
0xd7: {  	v8 =	vld.idx.msk [tilespmem:v8+s13+$0x0], $0xffff;
	v9 =	vadd.s32 v9, v12  }
0xd8: {  	v6 =	vadd.s32 v6, v9  }
0xd9: {  	v6 =	vadd.s32 v7, v6  }
0xda: {  	v6 =	vadd.s32 v10, v6  }
0xdb: {  	v6 =	vadd.s32 v11, v6  }
0xdc: {  	v6 =	vadd.s32 v8, v6  }
0xdd: {  	[tilespmem:s20+$0xFFFFFFF0] =	vst v6  }
0xde: {  	v6 =	vld [tilespmem:s21+$0x0];
	_ =	sdelay $0x4  }
0xdf: {  	(xrf0) =	vadd.scan.msk.s32 $0xffff, v6;
	_ =	sdelay $0x4  }
0xe0: {  	s0 =	simm.s32 $0x163E0  }
0xe1: {  	v8 =	vld [tilespmem:s0+$0x0];
	v7, _, _ =	vpop (xrf0)  }
0xe2: {  	(v2sf) =	vpush v7, $0xF;
	_ =	sdelay $0x3  }
0xe3: {  	(xrf0) =	vadd.scan.msk.s32 $0xffff, v8;
	_ =	sdelay $0x5  }
0xe4: {  	s1 =	simm.s32 $0x163D0;
	v10, _, _ =	vpop (xrf0)  }
0xe5: {  	v9 =	vld [tilespmem:s1+$0x0];
	(v2sf) =	vpush v10, $0xF;
	_ =	sdelay $0x3  }
0xe6: {  	s3 =	spop (v2sf)  }
0xe7: {  	(xrf0) =	vadd.scan.msk.s32 $0xffff, v9;
	s3 =	sadd.s32 $0x0, s3  }
0xe8: {  	v7 =	vsub.s32 s3, v7  }
0xe9: {  	v6 =	vadd.s32 v6, v7  }
0xea: {  	vm0 =	vgt.s32 v6, $0xEB32;
	v6 =	vor.u32 s19, v5  }
0xeb: {  	v6 =	vnsel vm0, $0x7FFFFFFF, v6  }
0xec: {  	(xrf0) =	vmax.scan.msk.u32 $0xffff, v6  }
0xed: {  	v11, _, _ =	vpop (xrf0)  }
0xee: {  	s7 =	simm.s32 $0x163C0;
	(v2sf) =	vpush v11, $0xF  }
0xef: {  	v12 =	vld [tilespmem:s7+$0x0];
	_ =	sdelay $0x1  }
0xf0: {  	s8 =	spop (v2sf)  }
0xf1: {  	s16 =	simm.s32 $0x163B0;
	s7 =	sadd.s32 s3, s8;
	v6, _, _ =	vpop (xrf0)  }
0xf2: {  	v13 =	vld [tilespmem:s16+$0x0];
	v10 =	vsub.s32 s7, v10;
	(v2sf) =	vpush v6, $0xF  }
0xf3: {  	s0 =	simm.s32 $0xFE0;
	(xrf0) =	vadd.scan.msk.s32 $0xffff, v12;
	v6 =	vadd.s32 v8, v10  }
0xf4: {  	vm8 =	vgt.s32 v6, $0xEB32;
	v6 =	vor.u32 s0, v5  }
0xf5: {  	v6 =	vnsel vm8, $0x7FFFFFFF, v6  }
0xf6: {  	(xrf0) =	vmax.scan.msk.u32 $0xffff, v6  }
0xf7: {  	(xrf0) =	vadd.scan.msk.s32 $0xffff, v13;
	_ =	sdelay $0x1  }
0xf8: {  	v6, _, _ =	vpop (xrf0)  }
0xf9: {  	(v2sf) =	vpush v6, $0xF;
	_ =	sdelay $0x1  }
0xfa: {  	s1 =	spop (v2sf);
	v8, _, _ =	vpop (xrf0)  }
0xfb: {  	s1 =	sadd.s32 s7, s1;
	(v2sf) =	vpush v8, $0xF;
	v8, _, _ =	vpop (xrf0)  }
0xfc: {  	s8 =	simm.s32 $0x163A0;
	v11 =	vsub.s32 s1, v11;
	(v2sf) =	vpush v8, $0xF  }
0xfd: {  	s26 =	simm.s32 $0xFD0;
	v14 =	vld [tilespmem:s8+$0x0];
	v9 =	vadd.s32 v9, v11  }
0xfe: {  	vm9 =	vgt.s32 v9, $0xEB32;
	v9 =	vor.u32 s26, v5  }
0xff: {  	v9 =	vnsel vm9, $0x7FFFFFFF, v9;
	s20 =	spop (v2sf)  }
0x100: {  	(xrf0) =	vmax.scan.msk.u32 $0xffff, v9;
	v9 =	vor.u32 s19, v0;
	s8 =	sxor.u32 $0x80000000, s20  }
0x101: {  	v7 =	vxor.u32 $0x80000000, v7;
	vm10 =	veq.s32 v9, s8  }
0x102: {  	(xrf0) =	vadd.scan.msk.s32 $0xffff, v14;
	v7 =	vnsel vm10, $0x80000000, v7  }
0x103: {  	(xrf0) =	vmax.scan.msk.u32 $0xffff, v7;
	_ =	sdelay $0x3  }
0x104: {  	v7, _, _ =	vpop (xrf0);
	s21 =	spop (v2sf)  }
0x105: {  	p1 =	sgt.s32 s3, $0xEB32;
	p3 =	slt.s32 s3, $0xEB33;
	(v2sf) =	vpush v7, $0xF;
	v15, _, _ =	vpop (xrf0);
	s3 =	sadd.s32 s1, s21  }
0x106: {  	s23 =	simm.s32 $0x16390;
	(v2sf) =	vpush v15, $0xF;
	v6 =	vsub.s32 s3, v6;
	v9, _, _ =	vpop (xrf0)  }
0x107: {  	s25 =	simm.s32 $0xFC0;
	v7 =	vld [tilespmem:s23+$0x0];
	s16 =	spop (v2sf);
	(v2sf) =	vpush v9, $0xF;
	v9 =	vadd.s32 v12, v6  }
0x108: {  	s20 =	spop (v2sf);
	vm11 =	vgt.s32 v9, $0xEB32;
	v9 =	vor.u32 s25, v5  }
0x109: {  	p0 =	por $0x1, $0x1;
	s24 =	simm.s32 $0xFB0;
	s28 =	sadd.s32 s3, s20;
	v9 =	vnsel vm11, $0x7FFFFFFF, v9  }
0x10a: {  	s22 =	simm.s32 $0xFA0;
	s30 =	simm.s32 $0xF60;
	v12 =	vor.u32 s0, v0;
	s0 =	sxor.u32 $0x80000000, s16;
	v8 =	vsub.s32 s28, v8;
	(xrf0) =	vmax.scan.msk.u32 $0xffff, v9  }
0x10b: {  	s31 =	simm.s32 $0x16370;
	p0 =	por !p0, !p1;
	p2 =	sgt.s32 s7, $0xEB32;
	v10 =	vxor.u32 $0x80000000, v10;
	vm12 =	veq.s32 v12, s0;
	v12 =	vadd.s32 v13, v8  }
0x10c: {  	p4 =	slt.s32 s7, $0xEB33;
	p0 =	por p0, p0;
	p1 =	por !p3, !p2;
	v10 =	vnsel vm12, $0x80000000, v10;
	(xrf0) =	vadd.scan.msk.s32 $0xffff, v7;
	vm13 =	vgt.s32 v12, $0xEB32;
	v12 =	vor.u32 s24, v5  }
0x10d: {  	p3 =	sgt.s32 s1, $0xEB32;
	p0 =	por p0, p0;
	s23 =	simm.s32 $0x16380;
	(xrf0) =	vmax.scan.msk.u32 $0xffff, v10;
	v10 =	vnsel vm13, $0x7FFFFFFF, v12  }
0x10e: {  	p2 =	por p1, p1;
	p1 =	por !p4, !p3;
	p5 =	por p0, p0;
	v9 =	vld [tilespmem:s23+$0x0]  }
0x10f: {  	p6 =	por p2, p2;
	p1 =	por p1, p1;
	p2 =	por !p5, !p5  }
0x110: {  	p5 =	slt.s32 s1, $0xEB33;
	p0 =	por p6, p6;
	s19 =	simm.s32 $0x0;
	(xrf0) =	vmax.scan.msk.u32 $0xffff, v10;
	v10, _, _ =	vpop (xrf0)  }
0x111: {  	s19 =	smov.u32 @p2 s8;
	s21 =	simm.s32 $0xF90;
	p4 =	sgt.s32 s3, $0xEB32;
	(v2sf) =	vpush v10, $0xF  }
0x112: {  	p6 =	slt.s32 s3, $0xEB33;
	p3 =	por !p5, !p4;
	p4 =	por p1, p1  }
0x113: {  	p1 =	por p2, p2;
	p2 =	por !p0, !p0;
	p3 =	por p3, p3;
	(xrf0) =	vadd.scan.msk.s32 $0xffff, v9  }
0x114: {  	p4 =	por p4, p4;
	p1 =	por p1, p1;
	p0 =	por p3, p3;
	v12, _, _ =	vpop (xrf0)  }
0x115: {  	s19 =	smov.u32 @p2 s0;
	p2 =	por p2, p2;
	s8 =	spop (v2sf);
	(v2sf) =	vpush v12, $0xF  }
0x116: {  	s20 =	simm.s32 $0xF80;
	p5 =	sgt.s32 s28, $0xEB32;
	s1 =	simm.s32 @!p2 $0x0  }
0x117: {  	s23 =	simm.s32 $0xF70;
	p5 =	por !p6, !p5;
	v13, _, _ =	vpop (xrf0);
	s16 =	spop (v2sf)  }
0x118: {  	s1 =	simm.s32 @p2 $0x1;
	v10 =	vor.u32 s26, v0;
	s0 =	sxor.u32 $0x80000000, s8;
	(v2sf) =	vpush v13, $0xF;
	v13, _, _ =	vpop (xrf0);
	s29 =	sadd.s32 s28, s16  }
0x119: {  	p2 =	por !p4, !p4;
	[smem:$0x7FD] =	sst s1;
	p3 =	por p5, p5;
	vm14 =	veq.s32 v10, s0;
	(v2sf) =	vpush v13, $0xF;
	v10 =	vsub.s32 s29, v15;
	v13, _, _ =	vpop (xrf0)  }
0x11a: {  	v11 =	vxor.u32 $0x80000000, v11;
	p5 =	slt.s32 s28, $0xEB33;
	p3 =	por p3, p3;
	p6 =	sgt.s32 s29, $0xEB32;
	v14 =	vadd.s32 v14, v10;
	(v2sf) =	vpush v13, $0xF  }
0x11b: {  	s19 =	smov.u32 @p2 s0;
	v11 =	vnsel vm14, $0x80000000, v11;
	p4 =	por !p5, !p6;
	s26 =	spop (v2sf);
	vm15 =	vgt.s32 v14, $0xEB32;
	v14 =	vor.u32 s22, v5  }
0x11c: {  	(xrf0) =	vmax.scan.msk.u32 $0xffff, v11;
	v11 =	vld [tilespmem:s31+$0x0];
	p5 =	por p0, p0;
	s28 =	sxor.u32 $0x80000000, s26;
	s26 =	smov.u32 s29;
	v14 =	vnsel vm15, $0x7FFFFFFF, v14  }
.LBB2_12:
0x11d: {  	s1 =	sld [smem:$0x7FD];
	_ =	sdelay $0x1  }
0x11e: {  	p6 =	sne.s32 s30, $0x0;
	s18 =	smov.u32 @p1 s28;
	s0 =	smov.u32 s30  }
0x11f: {  	s30 =	sadd.s32 $0xFFFFFFF0, s30;
	s8 =	spop (v2sf);
	p0 =	seq.s32 s1, $0x1  }
0x120: {  	(xrf0) =	vmax.scan.msk.u32 $0xffff, v14;
	v15 =	vor.u32 s25, v0;
	s25 =	smov.u32 s24;
	p1 =	por p0, p0;
	p0 =	por p2, p2  }
0x121: {  	s24 =	smov.u32 s22;
	s22 =	smov.u32 s21;
	(xrf0) =	vadd.scan.msk.s32 $0xffff, v11;
	s1 =	simm.s32 @!p0 $0x0  }
0x122: {  	s31 =	sadd.s32 $0xFFFFFFF0, s31;
	s21 =	smov.u32 s20;
	s1 =	simm.s32 @p0 $0x1  }
0x123: {  	s3 =	spop (v2sf);
	v14, _, _ =	vpop (xrf0);
	[smem:$0x7FD] =	sst s1;
	s1 =	sxor.u32 $0x80000000, s8  }
.Ltmp7:
0x124: {  	s20 =	smov.u32 s23;
	s29 =	sadd.s32 s29, s3;
	(v2sf) =	vpush v14, $0xF;
	v14 =	vxor.u32 $0x80000000, v6;
	vm0 =	veq.s32 v15, s1;
	(pc) =	sbr.rel @p6 .LBB2_12-.Ltmp7, $4  }
0x125: {  	s23 =	smov.u32 s0;
	p2 =	por !p5, !p5;
	v6 =	vmovc v8;
	v8 =	vmov v10;
	v10 =	vsub.s32 s29, v12;
	p5 =	sgt.s32 s29, $0xEB32;
	v14 =	vnsel vm0, $0x80000000, v14  }
0x126: {  	v12 =	vmov v13;
	p0 =	por p4, p4;
	p4 =	slt.s32 s26, $0xEB33;
	s26 =	smov.u32 s29;
	v15, _, _ =	vpop (xrf0);
	(xrf0) =	vmax.scan.msk.u32 $0xffff, v14;
	v14 =	vadd.s32 v7, v10  }
0x127: {  	p4 =	por !p4, !p5;
	p5 =	por p3, p3;
	(v2sf) =	vpush v15, $0xF;
	v13, _, _ =	vpop (xrf0);
	s16 =	spop (v2sf);
	vm15 =	vgt.s32 v14, $0xEB32;
	v14 =	vor.u32 s22, v5  }
0x128: {  	p3 =	por p0, p0;
	s19 =	smov.u32 @p2 s1;
	v7 =	vmovc v9;
	v9 =	vmov v11;
	v11 =	vld [tilespmem:s31+$0x0];
	(v2sf) =	vpush v13, $0xF;
	s28 =	sxor.u32 $0x80000000, s16;
	v14 =	vnsel vm15, $0x7FFFFFFF, v14  }
0x129: {  	_ =	sdelay $0x2  }
0x12a: {  	(xrf0) =	vmax.scan.msk.u32 $0xffff, v14  }
0x12b: {  	(xrf0) =	vadd.scan.msk.s32 $0xffff, v11;
	_ =	sdelay $0x3  }
0x12c: {  	v59, _, _ =	vpop (xrf0)  }
0x12d: {  	(v2sf) =	vpush v59, $0xF;
	v60, _, _ =	vpop (xrf0)  }
0x12e: {  	(v2sf) =	vpush v60, $0xF;
	v61, _, _ =	vpop (xrf0)  }
0x12f: {  	(v2sf) =	vpush v61, $0xF;
	_ =	sdelay $0x7  }
0x130: {  	s0 =	spop (v2sf)  }
0x131: {  	s1 =	spop (v2sf)  }
0x132: {  	s31 =	spop (v2sf)  }
0x133: {  	v15 =	vor.u32 s25, v0;
	v6 =	vxor.u32 $0x80000000, v6;
	s29 =	sadd.s32 s29, s1;
	s1 =	sxor.u32 $0x80000000, s0;
	s8 =	spop (v2sf)  }
0x134: {  	v62 =	vor.u32 s24, v0;
	v12 =	vsub.s32 s29, v12;
	vm0 =	veq.s32 v15, s1;
	s3 =	spop (v2sf)  }
0x135: {  	v8 =	vxor.u32 $0x80000000, v8;
	v7 =	vadd.s32 v7, v12;
	v6 =	vnsel vm0, $0x80000000, v6;
	s25 =	sadd.s32 s29, s3;
	s30 =	spop (v2sf)  }
0x136: {  	vm8 =	vgt.s32 v7, $0xEB32;
	v7 =	vor.u32 s21, v5;
	s0 =	sxor.u32 $0x80000000, s8;
	v13 =	vsub.s32 s25, v13;
	s16 =	spop (v2sf)  }
0x137: {  	v7 =	vnsel vm8, $0x7FFFFFFF, v7;
	vm9 =	veq.s32 v62, s0;
	v9 =	vadd.s32 v9, v13;
	s7 =	spop (v2sf)  }
0x138: {  	(xrf0) =	vmax.scan.msk.u32 $0xffff, v6;
	v6 =	vnsel vm9, $0x80000000, v8;
	v8 =	vor.u32 s20, v5;
	vm10 =	vgt.s32 v9, $0xEB32;
	s24 =	sadd.s32 s25, s7  }
0x139: {  	(xrf0) =	vmax.scan.msk.u32 $0xffff, v7;
	v7 =	vnsel vm10, $0x7FFFFFFF, v8;
	v8 =	vor.u32 s22, v0;
	s22 =	sxor.u32 $0x80000000, s16;
	v63 =	vsub.s32 s24, v61  }
0x13a: {  	(xrf0) =	vmax.scan.msk.u32 $0xffff, v6;
	v6 =	vxor.u32 $0x80000000, v10;
	vm11 =	veq.s32 v8, s22;
	v8 =	vadd.s32 v11, v63  }
0x13b: {  	(xrf0) =	vmax.scan.msk.u32 $0xffff, v7;
	v7 =	vor.u32 s23, v5;
	v6 =	vnsel vm11, $0x80000000, v6;
	vm12 =	vgt.s32 v8, $0xEB32  }
0x13c: {  	(xrf0) =	vmax.scan.msk.u32 $0xffff, v6;
	v6 =	vnsel vm12, $0x7FFFFFFF, v7;
	_ =	sdelay $0x1  }
0x13d: {  	(xrf0) =	vmax.scan.msk.u32 $0xffff, v6  }
0x13e: {  	v6, _, _ =	vpop (xrf0)  }
0x13f: {  	v7, _, _ =	vpop (xrf0);
	(v2sf) =	vpush v6, $0xF  }
0x140: {  	v6, _, _ =	vpop (xrf0);
	(v2sf) =	vpush v7, $0xF  }
0x141: {  	(v2sf) =	vpush v6, $0xF;
	v6, _, _ =	vpop (xrf0)  }
0x142: {  	(v2sf) =	vpush v6, $0xF;
	v6, _, _ =	vpop (xrf0)  }
0x143: {  	(v2sf) =	vpush v6, $0xF;
	v6, _, _ =	vpop (xrf0)  }
0x144: {  	(v2sf) =	vpush v6, $0xF;
	_ =	sdelay $0x9  }
0x145: {  	s8 =	spop (v2sf)  }
0x146: {  	s7 =	spop (v2sf)  }
0x147: {  	v6 =	vor.u32 s21, v0;
	s3 =	sxor.u32 $0x80000000, s7;
	s7 =	spop (v2sf)  }
0x148: {  	vm13 =	veq.s32 v6, s3;
	v6 =	vxor.u32 $0x80000000, v12;
	s16 =	spop (v2sf)  }
0x149: {  	v7 =	vor.u32 s20, v0;
	v6 =	vnsel vm13, $0x80000000, v6;
	s20 =	sxor.u32 $0x80000000, s16;
	s21 =	spop (v2sf)  }
0x14a: {  	(xrf0) =	vmax.scan.msk.u32 $0xffff, v6;
	vm14 =	veq.s32 v7, s20;
	v6 =	vxor.u32 $0x80000000, v13;
	s16 =	spop (v2sf)  }
0x14b: {  	v7 =	vor.u32 s23, v0;
	v6 =	vnsel vm14, $0x80000000, v6;
	s23 =	sxor.u32 $0x80000000, s16  }
0x14c: {  	s18 =	smov.u32 @p1 s28;
	s28 =	sld [smem:$0x7FD];
	(xrf0) =	vmax.scan.msk.u32 $0xffff, v6;
	vm15 =	veq.s32 v7, s23;
	v6 =	vxor.u32 $0x80000000, v63  }
0x14d: {  	p5 =	por !p5, !p5;
	v6 =	vnsel vm15, $0x80000000, v6  }
0x14e: {  	p0 =	por p3, p3;
	p2 =	por p2, p2;
	p4 =	por p4, p4;
	(xrf0) =	vmax.scan.msk.u32 $0xffff, v6  }
0x14f: {  	p0 =	por !p0, !p0;
	p2 =	por p2, p2;
	p3 =	seq.s32 s28, $0x1  }
0x150: {  	p6 =	sgt.s32 s29, $0xEB32;
	p1 =	por p3, p3;
	p3 =	slt.s32 s26, $0xEB33  }
0x151: {  	s19 =	smov.u32 @p5 s1;
	p6 =	por !p3, !p6;
	p3 =	por p4, p4  }
0x152: {  	p4 =	por p5, p5;
	p3 =	por p3, p3;
	s1 =	sxor.u32 $0x80000000, s31;
	v6, _, _ =	vpop (xrf0)  }
0x153: {  	p4 =	por p4, p4;
	p3 =	por !p3, !p3;
	s18 =	smov.u32 @p1 s1;
	(v2sf) =	vpush v6, $0xF;
	v6, _, _ =	vpop (xrf0)  }
0x154: {  	p1 =	slt.s32 s29, $0xEB33;
	s19 =	smov.u32 @p0 s0;
	s0 =	sxor.u32 $0x80000000, s30;
	(v2sf) =	vpush v6, $0xF;
	v6, _, _ =	vpop (xrf0)  }
0x155: {  	s18 =	smov.u32 @p2 s0;
	p2 =	por p6, p6;
	p6 =	sgt.s32 s25, $0xEB32;
	(v2sf) =	vpush v6, $0xF  }
0x156: {  	p0 =	por p0, p0;
	p5 =	slt.s32 s25, $0xEB33;
	p1 =	por !p1, !p6  }
0x157: {  	p0 =	por p0, p0;
	p2 =	por p2, p2;
	p1 =	por p1, p1  }
0x158: {  	p2 =	por p2, p2;
	s19 =	smov.u32 @p3 s22;
	p1 =	por p1, p1  }
0x159: {  	p3 =	por p3, p3;
	p2 =	por !p2, !p2;
	p6 =	sgt.s32 s24, $0xEB32  }
0x15a: {  	p1 =	por p1, p1;
	p5 =	por !p5, !p6;
	s0 =	sxor.u32 $0x80000000, s8  }
0x15b: {  	p1 =	por !p1, !p1;
	p5 =	por p5, p5;
	s18 =	smov.u32 @p4 s0  }
0x15c: {  	p4 =	por p5, p5;
	s19 =	smov.u32 @p2 s3;
	s0 =	sxor.u32 $0x80000000, s7  }
0x15d: {  	p2 =	por p2, p2;
	p6 =	por p4, p4;
	s18 =	smov.u32 @p0 s0  }
0x15e: {  	p0 =	por p3, p3;
	p2 =	por p2, p2;
	s19 =	smov.u32 @p1 s20  }
0x15f: {  	s0 =	sxor.u32 $0x80000000, s21;
	p1 =	por p1, p1;
	s20 =	simm.s32 $0x0  }
0x160: {  	s18 =	smov.u32 @p0 s0;
	p0 =	por !p6, !p6;
	p1 =	por p1, p1  }
0x161: {  	[tilespmem:s20], [sflag:$0x1] =	stream.strided.gather [hbm4b:s4+s9], $0x2A00, s10, s9, $0x38;
	[tilespmem:$0x1E400] =	vst v63  }
0x162: {  	s19 =	smov.u32 @p0 s23;
	p0 =	por p0, p0;
	s29 =	spop (v2sf)  }
0x163: {  	p0 =	por p0, p0;
	s0 =	sxor.u32 $0x80000000, s29;
	s30 =	spop (v2sf)  }
0x164: {  	s18 =	smov.u32 @p2 s0;
	s0 =	sxor.u32 $0x80000000, s30;
	s31 =	spop (v2sf)  }
0x165: {  	s19 =	sadd.s32 $0xFFFFF800, s19;
	s18 =	smov.u32 @p1 s0;
	s0 =	sxor.u32 $0x80000000, s31  }
0x166: {  	v7 =	vimm.s32 $0x0;
	v6 =	vmov s19;
	s18 =	smov.u32 @p0 s0  }
.LBB2_14:
0x167: {  	s21 =	smul.u32 $0x2A000, s20;
	_ =	sdelay $0x1  }
0x168: {  	_ =	swait.ge [sflag:s11], $0x2A00;
	s0 =	sadd.s32 s21, s5  }
0x169: {  	[sflag:s11] =	ssyncset.done $0x0;
	s0 =	sshrl.u32 s0, $0x3  }
0x16a: {  	s22 =	simm.s32 $0x40;
	[sflag:s11] =	ssyncadd.s32 $0xFFFFD600;
	s0 =	sadd.s32 s2, s0  }
0x16b: {  	[tilespmem:s12], [sflag:$0x2] =	stream.strided.gather [hbm4b:s0+s9], $0x2A00, s10, s9, $0x38;
	[tilespmem:$0x1E400] =	vst v63  }
0x16c: {  	v8 =	vld [tilespmem:s22+$0xFFFFFFC0];
	_ =	sdelay $0x3  }
0x16d: {  	v9 =	vld [tilespmem:s22+$0xFFFFFFD0]  }
0x16e: {  	v10 =	vshra.s32 v8, $0x1F  }
0x16f: {  	v10 =	vand.u32 $0x7FFFFFFF, v10  }
0x170: {  	v10 =	vxor.u32 v8, v10  }
0x171: {  	v11 =	vld [tilespmem:s22+$0xFFFFFFE0];
	v8 =	vshra.s32 v10, $0x14  }
0x172: {  	vm1 =	vlt.s32 v7, $0x800;
	vm0 =	veq.s32 v8, v6;
	v8 =	vshra.s32 v9, $0x1F  }
0x173: {  	vm1 =	vmand vm1, vm0;
	v8 =	vand.u32 $0x7FFFFFFF, v8  }
0x174: {  	v12 =	vsel vm1, $0x1, v1;
	v9 =	vxor.u32 v9, v8  }
0x175: {  	v8 =	vadd.s32 v12, v7;
	v12 =	vshra.s32 v9, $0x14  }
0x176: {  	v13 =	vld [tilespmem:s22+$0xFFFFFFF0];
	vm0 =	veq.s32 v12, v6;
	vm2 =	vlt.s32 v8, $0x800;
	v12 =	vshra.s32 v11, $0x1F  }
0x177: {  	vm2 =	vmand vm0, vm2;
	v12 =	vand.u32 $0x7FFFFFFF, v12  }
0x178: {  	v14 =	vsel vm2, $0x1, v1;
	v11 =	vxor.u32 v11, v12  }
0x179: {  	v12 =	vadd.s32 v14, v8;
	v14 =	vshra.s32 v11, $0x14  }
0x17a: {  	vm0 =	veq.s32 v14, v6;
	vm3 =	vlt.s32 v12, $0x800  }
0x17b: {  	v15 =	vld [tilespmem:s22+$0x0];
	v7 =	vshll.u32 v7, $0x4;
	v14 =	vshra.s32 v13, $0x1F;
	vm3 =	vmand vm0, vm3  }
0x17c: {  	v16 =	vor.u32 v0, v7;
	v7 =	vand.u32 $0x7FFFFFFF, v14;
	v14 =	vsel vm3, $0x1, v1  }
0x17d: {  	v14 =	vadd.s32 v14, v12;
	v12 =	vshll.u32 v12, $0x4  }
0x17e: {  	v8 =	vshll.u32 v8, $0x4;
	v7 =	vxor.u32 v13, v7;
	v12 =	vor.u32 v0, v12  }
0x17f: {  	v18 =	vld [tilespmem:s22+$0x10];
	v17 =	vor.u32 v0, v8;
	v8 =	vshra.s32 v7, $0x14  }
0x180: {  	vm0 =	veq.s32 v8, v6;
	vm4 =	vlt.s32 v14, $0x800;
	v8 =	vshra.s32 v15, $0x1F  }
0x181: {  	[tilespmem:v16+s15+$0x0] =	vst.idx.msk vm1, v10;
	v10 =	vshll.u32 v14, $0x4;
	vm0 =	vmand vm0, vm4;
	v8 =	vand.u32 $0x7FFFFFFF, v8  }
0x182: {  	v10 =	vor.u32 v0, v10;
	v13 =	vsel vm0, $0x1, v1;
	v8 =	vxor.u32 v15, v8  }
0x183: {  	v13 =	vadd.s32 v13, v14;
	v15 =	vshra.s32 v8, $0x14;
	[tilespmem:v12+s15+$0x0] =	vst.idx.msk vm3, v11;
	v12 =	vld [tilespmem:s22+$0x20]  }
0x184: {  	v14 =	vshra.s32 v18, $0x1F;
	vm15 =	veq.s32 v15, v6;
	vm5 =	vlt.s32 v13, $0x800  }
0x185: {  	[tilespmem:v17+s15+$0x0] =	vst.idx.msk vm2, v9;
	v9 =	vshll.u32 v13, $0x4;
	v15 =	vand.u32 $0x7FFFFFFF, v14;
	vm1 =	vmand vm15, vm5  }
0x186: {  	s23 =	simm.s32 $0x0;
	v11 =	vor.u32 v0, v9;
	v9 =	vxor.u32 v18, v15;
	v14 =	vsel vm1, $0x1, v1  }
.LBB2_15:
0x187: {  	s23 =	sadd.s32 $0x8, s23;
	[tilespmem:v10+s15+$0x0] =	vst.idx.msk vm0, v7;
	v7 =	vadd.s32 v14, v13;
	v10 =	vshra.s32 v9, $0x14;
	v13 =	vld [tilespmem:s22+$0x30]  }
0x188: {  	p0 =	slt.u32 s23, $0x298;
	vm0 =	veq.s32 v10, v6;
	vm2 =	vlt.s32 v7, $0x800;
	v10 =	vshra.s32 v12, $0x1F  }
0x189: {  	v14 =	vshll.u32 v7, $0x4;
	vm0 =	vmand vm0, vm2;
	v10 =	vand.u32 $0x7FFFFFFF, v10  }
0x18a: {  	s22 =	sadd.s32 $0x80, s22;
	v14 =	vor.u32 v0, v14;
	v15 =	vsel vm0, $0x1, v1;
	v10 =	vxor.u32 v12, v10  }
0x18b: {  	v12 =	vld [tilespmem:s22+$0xFFFFFFC0];
	[tilespmem:v11+s15+$0x0] =	vst.idx.msk vm1, v8;
	v7 =	vadd.s32 v15, v7;
	v8 =	vshra.s32 v10, $0x14  }
0x18c: {  	vm1 =	veq.s32 v8, v6;
	vm2 =	vlt.s32 v7, $0x800;
	v8 =	vshra.s32 v13, $0x1F  }
0x18d: {  	v11 =	vshll.u32 v7, $0x4;
	vm1 =	vmand vm1, vm2;
	v8 =	vand.u32 $0x7FFFFFFF, v8  }
0x18e: {  	v11 =	vor.u32 v0, v11;
	v15 =	vsel vm1, $0x1, v1;
	v8 =	vxor.u32 v13, v8  }
0x18f: {  	v13 =	vld [tilespmem:s22+$0xFFFFFFD0];
	[tilespmem:v14+s15+$0x0] =	vst.idx.msk vm0, v9;
	v7 =	vadd.s32 v15, v7;
	v9 =	vshra.s32 v8, $0x14  }
0x190: {  	v14 =	vshra.s32 v12, $0x1F;
	vm0 =	veq.s32 v9, v6;
	vm2 =	vlt.s32 v7, $0x800  }
0x191: {  	v9 =	vand.u32 $0x7FFFFFFF, v14;
	vm0 =	vmand vm0, vm2;
	v14 =	vshll.u32 v7, $0x4  }
0x192: {  	v9 =	vxor.u32 v12, v9;
	v12 =	vor.u32 v0, v14;
	v14 =	vsel vm0, $0x1, v1  }
0x193: {  	v15 =	vshra.s32 v9, $0x14;
	v16 =	vld [tilespmem:s22+$0xFFFFFFE0];
	[tilespmem:v11+s15+$0x0] =	vst.idx.msk vm1, v10;
	v7 =	vadd.s32 v14, v7  }
0x194: {  	vm1 =	veq.s32 v15, v6;
	vm2 =	vlt.s32 v7, $0x800;
	v10 =	vshra.s32 v13, $0x1F  }
0x195: {  	v11 =	vshll.u32 v7, $0x4;
	vm1 =	vmand vm2, vm1;
	v10 =	vand.u32 $0x7FFFFFFF, v10  }
0x196: {  	v11 =	vor.u32 v0, v11;
	v14 =	vsel vm1, $0x1, v1;
	v10 =	vxor.u32 v13, v10  }
0x197: {  	v7 =	vadd.s32 v14, v7;
	v13 =	vshra.s32 v10, $0x14;
	v14 =	vld [tilespmem:s22+$0xFFFFFFF0];
	[tilespmem:v12+s15+$0x0] =	vst.idx.msk vm0, v8  }
0x198: {  	vm0 =	veq.s32 v13, v6;
	vm2 =	vlt.s32 v7, $0x800;
	v8 =	vshra.s32 v16, $0x1F  }
0x199: {  	v12 =	vshll.u32 v7, $0x4;
	vm0 =	vmand vm0, vm2;
	v8 =	vand.u32 $0x7FFFFFFF, v8  }
0x19a: {  	v12 =	vor.u32 v0, v12;
	v13 =	vsel vm0, $0x1, v1;
	v15 =	vxor.u32 v16, v8  }
0x19b: {  	[tilespmem:v11+s15+$0x0] =	vst.idx.msk vm1, v9;
	v8 =	vadd.s32 v13, v7;
	v7 =	vshra.s32 v15, $0x14;
	v9 =	vld [tilespmem:s22+$0x0]  }
0x19c: {  	vm1 =	veq.s32 v7, v6;
	vm2 =	vlt.s32 v8, $0x800;
	v7 =	vshra.s32 v14, $0x1F  }
0x19d: {  	v11 =	vshll.u32 v8, $0x4;
	vm1 =	vmand vm1, vm2;
	v7 =	vand.u32 $0x7FFFFFFF, v7  }
0x19e: {  	v11 =	vor.u32 v0, v11;
	v13 =	vsel vm1, $0x1, v1;
	v7 =	vxor.u32 v14, v7  }
0x19f: {  	[tilespmem:v12+s15+$0x0] =	vst.idx.msk vm0, v10;
	v12 =	vadd.s32 v13, v8;
	v8 =	vshra.s32 v7, $0x14;
	v16 =	vld [tilespmem:s22+$0x10]  }
0x1a0: {  	vm0 =	veq.s32 v8, v6;
	vm2 =	vlt.s32 v12, $0x800;
	v8 =	vshra.s32 v9, $0x1F  }
0x1a1: {  	v10 =	vshll.u32 v12, $0x4;
	vm0 =	vmand vm0, vm2;
	v8 =	vand.u32 $0x7FFFFFFF, v8  }
.Ltmp8:
0x1a2: {  	v10 =	vor.u32 v0, v10;
	v13 =	vsel vm0, $0x1, v1;
	v8 =	vxor.u32 v9, v8;
	(pc) =	sbr.rel @p0 .LBB2_15-.Ltmp8, $4  }
0x1a3: {  	[tilespmem:v11+s15+$0x0] =	vst.idx.msk vm1, v15;
	v13 =	vadd.s32 v13, v12;
	v9 =	vshra.s32 v8, $0x14;
	v12 =	vld [tilespmem:s22+$0x20]  }
0x1a4: {  	vm1 =	veq.s32 v9, v6;
	vm2 =	vlt.s32 v13, $0x800;
	v9 =	vshra.s32 v16, $0x1F  }
0x1a5: {  	v11 =	vshll.u32 v13, $0x4;
	vm1 =	vmand vm1, vm2;
	v9 =	vand.u32 $0x7FFFFFFF, v9  }
0x1a6: {  	v11 =	vor.u32 v0, v11;
	v14 =	vsel vm1, $0x1, v1;
	v9 =	vxor.u32 v16, v9  }
0x1a7: {  	v13 =	vadd.s32 v14, v13;
	v14 =	vshra.s32 v9, $0x14;
	v15 =	vld [tilespmem:s22+$0x30]  }
0x1a8: {  	vm2 =	veq.s32 v14, v6;
	vm3 =	vlt.s32 v13, $0x800;
	v14 =	vshra.s32 v12, $0x1F  }
0x1a9: {  	vm2 =	vmand vm2, vm3;
	v14 =	vand.u32 $0x7FFFFFFF, v14  }
0x1aa: {  	v16 =	vsel vm2, $0x1, v1;
	v12 =	vxor.u32 v12, v14  }
0x1ab: {  	v14 =	vadd.s32 v16, v13;
	v57 =	vshra.s32 v12, $0x14  }
0x1ac: {  	vm3 =	veq.s32 v57, v6;
	vm4 =	vlt.s32 v14, $0x800;
	v58 =	vshra.s32 v15, $0x1F  }
0x1ad: {  	vm3 =	vmand vm3, vm4;
	v16 =	vand.u32 $0x7FFFFFFF, v58  }
0x1ae: {  	v13 =	vshll.u32 v13, $0x4;
	v17 =	vsel vm3, $0x1, v1;
	v15 =	vxor.u32 v15, v16  }
0x1af: {  	v13 =	vor.u32 v0, v13;
	v59 =	vadd.s32 v17, v14;
	v60 =	vshra.s32 v15, $0x14  }
0x1b0: {  	v14 =	vshll.u32 v14, $0x4;
	vm12 =	veq.s32 v60, v6;
	vm5 =	vlt.s32 v59, $0x800  }
0x1b1: {  	v14 =	vor.u32 v0, v14;
	v61 =	vshll.u32 v59, $0x4;
	vm4 =	vmand vm12, vm5  }
0x1b2: {  	v17 =	vor.u32 v0, v61  }
0x1b3: {  	[tilespmem:v10+s15+$0x0] =	vst.idx.msk vm0, v7  }
0x1b4: {  	[tilespmem:v11+s15+$0x0] =	vst.idx.msk vm1, v8  }
0x1b5: {  	[tilespmem:v13+s15+$0x0] =	vst.idx.msk vm2, v9  }
0x1b6: {  	p0 =	seq.s32 s20, $0x1B;
	[tilespmem:v14+s15+$0x0] =	vst.idx.msk vm3, v12  }
0x1b7: {  	s0 =	sadd.s32 @!p0 s21, s6;
	[tilespmem:v17+s15+$0x0] =	vst.idx.msk vm4, v15  }
0x1b8: {  	s1 =	simm.s32 @!p0 $0x80;
	s3 =	simm.s32 @!p0 $0x400;
	_ =	swait.ge [sflag:s14], $0x2A00  }
0x1b9: {  	s7 =	simm.s32 @!p0 $0x0;
	s0 =	sshrl.u32 @!p0 s0, $0x3;
	[sflag:s14] =	ssyncset.done $0x0  }
0x1ba: {  	s21 =	simm.s32 $0x2A40;
	s0 =	sadd.s32 @!p0 s2, s0;
	[sflag:s14] =	ssyncadd.s32 $0xFFFFD600  }
0x1bb: {  	[tilespmem:s7], [sflag:$0x1] =	stream.strided.gather @!p0 [hbm4b:s0+s1], $0x2A00, s3, s1, $0x38;
	[tilespmem:$0x1E400] =	vst v63  }
0x1bc: {  	v7 =	vld [tilespmem:s21+$0xFFFFFFC0];
	_ =	sdelay $0x3  }
0x1bd: {  	v8 =	vld [tilespmem:s21+$0xFFFFFFD0]  }
0x1be: {  	v9 =	vshra.s32 v7, $0x1F  }
0x1bf: {  	v9 =	vand.u32 $0x7FFFFFFF, v9  }
0x1c0: {  	v10 =	vsel vm4, $0x1, v1;
	v9 =	vxor.u32 v7, v9  }
0x1c1: {  	v11 =	vld [tilespmem:s21+$0xFFFFFFE0];
	v7 =	vadd.s32 v10, v59;
	v10 =	vshra.s32 v9, $0x14  }
0x1c2: {  	vm1 =	vlt.s32 v7, $0x800;
	vm0 =	veq.s32 v10, v6;
	v10 =	vshra.s32 v8, $0x1F  }
0x1c3: {  	vm1 =	vmand vm1, vm0;
	v10 =	vand.u32 $0x7FFFFFFF, v10  }
0x1c4: {  	v12 =	vsel vm1, $0x1, v1;
	v10 =	vxor.u32 v8, v10  }
0x1c5: {  	v8 =	vadd.s32 v12, v7;
	v12 =	vshra.s32 v10, $0x14  }
0x1c6: {  	v13 =	vld [tilespmem:s21+$0xFFFFFFF0];
	vm0 =	veq.s32 v12, v6;
	vm2 =	vlt.s32 v8, $0x800;
	v12 =	vshra.s32 v11, $0x1F  }
0x1c7: {  	vm2 =	vmand vm0, vm2;
	v12 =	vand.u32 $0x7FFFFFFF, v12  }
0x1c8: {  	v14 =	vsel vm2, $0x1, v1;
	v11 =	vxor.u32 v11, v12  }
0x1c9: {  	v12 =	vadd.s32 v14, v8;
	v14 =	vshra.s32 v11, $0x14  }
0x1ca: {  	v7 =	vshll.u32 v7, $0x4;
	vm0 =	veq.s32 v14, v6;
	vm3 =	vlt.s32 v12, $0x800  }
0x1cb: {  	v15 =	vld [tilespmem:s21+$0x0];
	v62 =	vor.u32 v0, v7;
	v14 =	vshra.s32 v13, $0x1F;
	vm3 =	vmand vm0, vm3  }
0x1cc: {  	v8 =	vshll.u32 v8, $0x4;
	v7 =	vand.u32 $0x7FFFFFFF, v14;
	v14 =	vsel vm3, $0x1, v1  }
0x1cd: {  	v63 =	vor.u32 v0, v8;
	v14 =	vadd.s32 v14, v12;
	v12 =	vshll.u32 v12, $0x4  }
0x1ce: {  	v7 =	vxor.u32 v13, v7;
	v12 =	vor.u32 v0, v12  }
0x1cf: {  	v18 =	vld [tilespmem:s21+$0x10];
	v8 =	vshra.s32 v7, $0x14  }
0x1d0: {  	vm0 =	veq.s32 v8, v6;
	vm13 =	vlt.s32 v14, $0x800;
	v8 =	vshra.s32 v15, $0x1F  }
0x1d1: {  	[tilespmem:v62+s15+$0x0] =	vst.idx.msk vm1, v9;
	v9 =	vshll.u32 v14, $0x4;
	vm0 =	vmand vm0, vm13;
	v8 =	vand.u32 $0x7FFFFFFF, v8  }
0x1d2: {  	[tilespmem:v63+s15+$0x0] =	vst.idx.msk vm2, v10;
	v10 =	vor.u32 v0, v9;
	v13 =	vsel vm0, $0x1, v1;
	v8 =	vxor.u32 v15, v8  }
0x1d3: {  	v13 =	vadd.s32 v13, v14;
	v15 =	vshra.s32 v8, $0x14;
	[tilespmem:v12+s15+$0x0] =	vst.idx.msk vm3, v11;
	v12 =	vld [tilespmem:s21+$0x20]  }
0x1d4: {  	v14 =	vshra.s32 v18, $0x1F;
	vm14 =	veq.s32 v15, v6;
	vm15 =	vlt.s32 v13, $0x800  }
0x1d5: {  	v9 =	vshll.u32 v13, $0x4;
	v15 =	vand.u32 $0x7FFFFFFF, v14;
	vm1 =	vmand vm14, vm15  }
0x1d6: {  	s22 =	simm.s32 $0x0;
	v11 =	vor.u32 v0, v9;
	v9 =	vxor.u32 v18, v15;
	v14 =	vsel vm1, $0x1, v1  }
.LBB2_17:
0x1d7: {  	s22 =	sadd.s32 $0x8, s22;
	[tilespmem:v10+s15+$0x0] =	vst.idx.msk vm0, v7;
	v7 =	vadd.s32 v14, v13;
	v10 =	vshra.s32 v9, $0x14;
	v13 =	vld [tilespmem:s21+$0x30]  }
0x1d8: {  	p0 =	slt.u32 s22, $0x298;
	vm0 =	veq.s32 v10, v6;
	vm2 =	vlt.s32 v7, $0x800;
	v10 =	vshra.s32 v12, $0x1F  }
0x1d9: {  	v14 =	vshll.u32 v7, $0x4;
	vm0 =	vmand vm0, vm2;
	v10 =	vand.u32 $0x7FFFFFFF, v10  }
0x1da: {  	s21 =	sadd.s32 $0x80, s21;
	v14 =	vor.u32 v0, v14;
	v15 =	vsel vm0, $0x1, v1;
	v10 =	vxor.u32 v12, v10  }
0x1db: {  	v12 =	vld [tilespmem:s21+$0xFFFFFFC0];
	[tilespmem:v11+s15+$0x0] =	vst.idx.msk vm1, v8;
	v7 =	vadd.s32 v15, v7;
	v8 =	vshra.s32 v10, $0x14  }
0x1dc: {  	vm1 =	veq.s32 v8, v6;
	vm2 =	vlt.s32 v7, $0x800;
	v8 =	vshra.s32 v13, $0x1F  }
0x1dd: {  	v11 =	vshll.u32 v7, $0x4;
	vm1 =	vmand vm1, vm2;
	v8 =	vand.u32 $0x7FFFFFFF, v8  }
0x1de: {  	v11 =	vor.u32 v0, v11;
	v15 =	vsel vm1, $0x1, v1;
	v8 =	vxor.u32 v13, v8  }
0x1df: {  	v13 =	vld [tilespmem:s21+$0xFFFFFFD0];
	[tilespmem:v14+s15+$0x0] =	vst.idx.msk vm0, v9;
	v7 =	vadd.s32 v15, v7;
	v9 =	vshra.s32 v8, $0x14  }
0x1e0: {  	v14 =	vshra.s32 v12, $0x1F;
	vm0 =	veq.s32 v9, v6;
	vm2 =	vlt.s32 v7, $0x800  }
0x1e1: {  	v9 =	vand.u32 $0x7FFFFFFF, v14;
	vm0 =	vmand vm0, vm2;
	v14 =	vshll.u32 v7, $0x4  }
0x1e2: {  	v9 =	vxor.u32 v12, v9;
	v12 =	vor.u32 v0, v14;
	v14 =	vsel vm0, $0x1, v1  }
0x1e3: {  	v15 =	vshra.s32 v9, $0x14;
	v16 =	vld [tilespmem:s21+$0xFFFFFFE0];
	[tilespmem:v11+s15+$0x0] =	vst.idx.msk vm1, v10;
	v7 =	vadd.s32 v14, v7  }
0x1e4: {  	vm1 =	veq.s32 v15, v6;
	vm2 =	vlt.s32 v7, $0x800;
	v10 =	vshra.s32 v13, $0x1F  }
0x1e5: {  	v11 =	vshll.u32 v7, $0x4;
	vm1 =	vmand vm2, vm1;
	v10 =	vand.u32 $0x7FFFFFFF, v10  }
0x1e6: {  	v11 =	vor.u32 v0, v11;
	v14 =	vsel vm1, $0x1, v1;
	v10 =	vxor.u32 v13, v10  }
0x1e7: {  	v7 =	vadd.s32 v14, v7;
	v13 =	vshra.s32 v10, $0x14;
	v14 =	vld [tilespmem:s21+$0xFFFFFFF0];
	[tilespmem:v12+s15+$0x0] =	vst.idx.msk vm0, v8  }
0x1e8: {  	vm0 =	veq.s32 v13, v6;
	vm2 =	vlt.s32 v7, $0x800;
	v8 =	vshra.s32 v16, $0x1F  }
0x1e9: {  	v12 =	vshll.u32 v7, $0x4;
	vm0 =	vmand vm0, vm2;
	v8 =	vand.u32 $0x7FFFFFFF, v8  }
0x1ea: {  	v12 =	vor.u32 v0, v12;
	v13 =	vsel vm0, $0x1, v1;
	v15 =	vxor.u32 v16, v8  }
0x1eb: {  	[tilespmem:v11+s15+$0x0] =	vst.idx.msk vm1, v9;
	v8 =	vadd.s32 v13, v7;
	v7 =	vshra.s32 v15, $0x14;
	v9 =	vld [tilespmem:s21+$0x0]  }
0x1ec: {  	vm1 =	veq.s32 v7, v6;
	vm2 =	vlt.s32 v8, $0x800;
	v7 =	vshra.s32 v14, $0x1F  }
0x1ed: {  	v11 =	vshll.u32 v8, $0x4;
	vm1 =	vmand vm1, vm2;
	v7 =	vand.u32 $0x7FFFFFFF, v7  }
0x1ee: {  	v11 =	vor.u32 v0, v11;
	v13 =	vsel vm1, $0x1, v1;
	v7 =	vxor.u32 v14, v7  }
0x1ef: {  	[tilespmem:v12+s15+$0x0] =	vst.idx.msk vm0, v10;
	v12 =	vadd.s32 v13, v8;
	v8 =	vshra.s32 v7, $0x14;
	v16 =	vld [tilespmem:s21+$0x10]  }
0x1f0: {  	vm0 =	veq.s32 v8, v6;
	vm2 =	vlt.s32 v12, $0x800;
	v8 =	vshra.s32 v9, $0x1F  }
0x1f1: {  	v10 =	vshll.u32 v12, $0x4;
	vm0 =	vmand vm0, vm2;
	v8 =	vand.u32 $0x7FFFFFFF, v8  }
.Ltmp9:
0x1f2: {  	v10 =	vor.u32 v0, v10;
	v13 =	vsel vm0, $0x1, v1;
	v8 =	vxor.u32 v9, v8;
	(pc) =	sbr.rel @p0 .LBB2_17-.Ltmp9, $4  }
0x1f3: {  	[tilespmem:v11+s15+$0x0] =	vst.idx.msk vm1, v15;
	v13 =	vadd.s32 v13, v12;
	v9 =	vshra.s32 v8, $0x14;
	v12 =	vld [tilespmem:s21+$0x20]  }
0x1f4: {  	vm1 =	veq.s32 v9, v6;
	vm2 =	vlt.s32 v13, $0x800;
	v9 =	vshra.s32 v16, $0x1F  }
0x1f5: {  	v11 =	vshll.u32 v13, $0x4;
	vm1 =	vmand vm1, vm2;
	v9 =	vand.u32 $0x7FFFFFFF, v9  }
0x1f6: {  	v11 =	vor.u32 v0, v11;
	v14 =	vsel vm1, $0x1, v1;
	v9 =	vxor.u32 v16, v9  }
0x1f7: {  	v13 =	vadd.s32 v14, v13;
	v55 =	vshra.s32 v9, $0x14;
	v15 =	vld [tilespmem:s21+$0x30]  }
0x1f8: {  	vm2 =	veq.s32 v55, v6;
	vm3 =	vlt.s32 v13, $0x800;
	v56 =	vshra.s32 v12, $0x1F  }
0x1f9: {  	vm2 =	vmand vm2, vm3;
	v14 =	vand.u32 $0x7FFFFFFF, v56  }
0x1fa: {  	v16 =	vsel vm2, $0x1, v1;
	v57 =	vxor.u32 v12, v14  }
0x1fb: {  	v58 =	vadd.s32 v16, v13;
	v59 =	vshra.s32 v57, $0x14  }
0x1fc: {  	vm14 =	veq.s32 v59, v6;
	vm4 =	vlt.s32 v58, $0x800;
	v60 =	vshra.s32 v15, $0x1F  }
0x1fd: {  	vm3 =	vmand vm14, vm4;
	v16 =	vand.u32 $0x7FFFFFFF, v60  }
0x1fe: {  	v13 =	vshll.u32 v13, $0x4;
	v17 =	vsel vm3, $0x1, v1;
	v15 =	vxor.u32 v15, v16  }
0x1ff: {  	v13 =	vor.u32 v0, v13;
	v61 =	vadd.s32 v17, v58;
	v62 =	vshra.s32 v15, $0x14  }
0x200: {  	v14 =	vshll.u32 v58, $0x4;
	vm15 =	veq.s32 v62, v6;
	vm5 =	vlt.s32 v61, $0x800  }
0x201: {  	s20 =	sadd.s32 $0x1, s20;
	v14 =	vor.u32 v0, v14;
	v63 =	vshll.u32 v61, $0x4;
	vm4 =	vmand vm15, vm5  }
0x202: {  	p0 =	sne.s32 s20, $0x1C;
	v17 =	vor.u32 v0, v63  }
.Ltmp10:
0x203: {  	[tilespmem:v10+s15+$0x0] =	vst.idx.msk vm0, v7;
	(pc) =	sbr.rel @p0 .LBB2_14-.Ltmp10, $4  }
0x204: {  	[tilespmem:v11+s15+$0x0] =	vst.idx.msk vm1, v8  }
0x205: {  	[tilespmem:v13+s15+$0x0] =	vst.idx.msk vm2, v9  }
0x206: {  	v7 =	vsel vm4, $0x1, v1;
	[tilespmem:v14+s15+$0x0] =	vst.idx.msk vm3, v57  }
0x207: {  	v7 =	vadd.s32 v7, v61;
	[tilespmem:v17+s15+$0x0] =	vst.idx.msk vm4, v15  }
0x208: {  	v6 =	vxor.u32 $0x80000000, v7  }
0x209: {  	(xrf0) =	vmax.scan.msk.u32 $0xffff, v6;
	_ =	sdelay $0x5  }
0x20a: {  	v6, _, _ =	vpop (xrf0)  }
0x20b: {  	(v2sf) =	vpush v6, $0xF;
	_ =	sdelay $0xe  }
0x20c: {  	s0 =	spop (v2sf)  }
0x20d: {  	s20 =	sxor.u32 $0x80000000, s0  }
0x20e: {  	s1 =	sshra.s32 s20, $0x1F  }
0x20f: {  	s1 =	sshrl.u32 s1, $0x1D  }
0x210: {  	s1 =	sadd.s32 s1, s20  }
0x211: {  	s21 =	sand.u32 $0xFFFFFFF8, s1  }
.Ltmp11:
0x212: {  	s1 =	ssub.s32 s20, s21;
	(pc) =	sbr.rel .LBB2_20-.Ltmp11, $4  }
0x213: {  	s18 =	ssub.s32 $0xEB33, s18;
	s0 =	sshll.u32 s0, $0x6;
	s3 =	sshll.u32 s1, $0x6  }
0x214: {  	s23 =	sshll.u32 s19, $0x14;
	s25 =	simm.s32 $0x0;
	s0 =	ssub.s32 s0, s3  }
0x215: {  	s19 =	sor.u32 $0xFFFFF, s23;
	p0 =	slt.s32 s21, $0x1;
	s0 =	sshra.s32 s0, $0x2  }
0x216: {  	p1 =	sge.s32 s21, s20;
	s22 =	ssub.s32 $0x0, s1;
	s24 =	sadd.s32 $0x16400, s0  }
.LBB2_25:
0x217: {  	(xrf0) =	vadd.scan.msk.s32 $0xffff, v8;
	_ =	sdelay $0x5  }
0x218: {  	v6, _, _ =	vpop (xrf0)  }
0x219: {  	(v2sf) =	vpush v6, $0xF;
	_ =	sdelay $0xb  }
0x21a: {  	s25 =	sadd.s32 $0x1, s25  }
0x21b: {  	p3 =	sne.s32 s25, $0x14  }
.Ltmp12:
0x21c: {  	_ = 	snop;
	(pc) =	sbr.rel @!p3 .LBB2_26-.Ltmp12, $4  }
0x21d: {  	s0 =	spop (v2sf)  }
0x21e: {  	p2 =	slt.s32 s0, s18  }
0x21f: {  	s0 =	sadd.s32 $0xFFFFFFFF, s26;
	s26 =	smov.u32 @p2 s23  }
0x220: {  	s19 =	smov.u32 @p2 s0;
	s23 =	smov.u32 s26  }
.LBB2_20:
.Ltmp13:
0x221: {  	s0 =	ssub.s32 s19, s23;
	(pc) =	sbr.rel @p0 .LBB2_21-.Ltmp13, $4  }
0x222: {  	s0 =	sadd.s32 $0x1, s0  }
0x223: {  	s0 =	sshra.s32 s0, $0x1  }
0x224: {  	s26 =	sadd.s32 s23, s0  }
0x225: {  	v6 =	vmov s26  }
0x226: {  	s0 =	simm.s32 $0x16440  }
0x227: {  	v9 =	vld [tilespmem:s0+$0x30]  }
0x228: {  	v10 =	vld [tilespmem:s0+$0x20]  }
0x229: {  	v11 =	vld [tilespmem:s0+$0x10]  }
0x22a: {  	s1 =	simm.s32 $0x0;
	v8 =	vimm.s32 $0x0;
	s3 =	simm.s32 $0x6;
	s7 =	simm.s32 $0x7;
	v12 =	vld [tilespmem:s0+$0x0]  }
0x22b: {  	s8 =	simm.s32 $0x4;
	s16 =	simm.s32 $0x5;
	s30 =	simm.s32 $0x1;
	v13 =	vmov s1;
	v14 =	vld [tilespmem:s0+$0xFFFFFFF0];
	v15 =	vmov s3;
	v16 =	vmov s7  }
0x22c: {  	s31 =	simm.s32 $0x2;
	s1 =	simm.s32 $0x3;
	v17 =	vld [tilespmem:s0+$0xFFFFFFC0];
	v19 =	vmov s8;
	v20 =	vmov s16;
	v21 =	vmov s30  }
0x22d: {  	v63 =	vld [tilespmem:s0+$0xFFFFFFD0];
	v22 =	vmov s31;
	v18 =	vmov s1;
	vm6 =	vlt.s32 v13, v7  }
0x22e: {  	v23 =	vld [tilespmem:s0+$0xFFFFFFE0];
	vm2 =	vlt.s32 v20, v7;
	vm1 =	vlt.s32 v15, v7;
	vm0 =	vlt.s32 v16, v7  }
0x22f: {  	vm7 =	vlt.s32 v22, v7;
	vm9 =	vlt.s32 v19, v7;
	vm10 =	vlt.s32 v21, v7  }
0x230: {  	vm8 =	vlt.s32 v18, v7;
	vm4 =	vge.s32 v10, v6;
	vm3 =	vge.s32 v9, v6  }
0x231: {  	p2 =	sgt.s32 s21, $0x8;
	vm11 =	vge.s32 v17, v6;
	vm12 =	vge.s32 v12, v6;
	vm5 =	vge.s32 v11, v6  }
.Ltmp14:
0x232: {  	vm13 =	vge.s32 v14, v6;
	vm6 =	vmand vm6, vm11;
	vm11 =	vge.s32 v63, v6;
	(pc) =	sbr.rel @!p2 .LBB2_30-.Ltmp14, $4  }
0x233: {  	vm15 =	vge.s32 v23, v6;
	v9 =	vsel vm6, $0x1, v1;
	vm6 =	vmand vm10, vm11  }
0x234: {  	v8 =	vadd.s32 v9, v8;
	v9 =	vsel vm6, $0x1, v1;
	vm6 =	vmand vm7, vm15  }
0x235: {  	v8 =	vadd.s32 v9, v8;
	v9 =	vsel vm6, $0x1, v1;
	vm6 =	vmand vm8, vm13  }
0x236: {  	s28 =	simm.s32 $0x8;
	s29 =	simm.s32 $0x164C0;
	v8 =	vadd.s32 v9, v8;
	v9 =	vsel vm6, $0x1, v1;
	vm6 =	vmand vm9, vm12  }
.LBB2_29:
0x237: {  	v10 =	vld [tilespmem:s29+$0x30];
	v8 =	vadd.s32 v9, v8;
	v9 =	vsel vm6, $0x1, v1;
	vm2 =	vmand vm2, vm5  }
0x238: {  	vm1 =	vmand vm1, vm4;
	v11 =	vld [tilespmem:s29+$0x20];
	v8 =	vadd.s32 v9, v8;
	v9 =	vsel vm2, $0x1, v1  }
0x239: {  	vm0 =	vmand vm0, vm3;
	v12 =	vld [tilespmem:s29+$0x10];
	v8 =	vadd.s32 v9, v8;
	v9 =	vsel vm1, $0x1, v1  }
0x23a: {  	v13 =	vmov s28;
	s0 =	sadd.s32 $0x6, s28;
	s1 =	sadd.s32 $0x7, s28;
	v14 =	vld [tilespmem:s29+$0x0];
	v8 =	vadd.s32 v9, v8;
	v9 =	vsel vm0, $0x1, v1  }
0x23b: {  	s3 =	sadd.s32 $0x3, s28;
	s7 =	sadd.s32 $0x4, s28;
	s8 =	sadd.s32 $0x5, s28;
	v16 =	vmov s0;
	v17 =	vmov s1;
	v15 =	vld [tilespmem:s29+$0xFFFFFFF0];
	v8 =	vadd.s32 v9, v8  }
0x23c: {  	s0 =	sadd.s32 $0x1, s28;
	s1 =	sadd.s32 $0x2, s28;
	v18 =	vmov s3;
	v19 =	vmov s7;
	v20 =	vmov s8;
	s28 =	sadd.s32 $0x8, s28;
	v9 =	vld [tilespmem:s29+$0xFFFFFFC0]  }
0x23d: {  	vm6 =	vlt.s32 v13, v7;
	v21 =	vmov s0;
	v22 =	vmov s1;
	p2 =	slt.s32 s28, s21;
	v13 =	vld [tilespmem:s29+$0xFFFFFFD0]  }
0x23e: {  	vm2 =	vlt.s32 v20, v7;
	vm1 =	vlt.s32 v16, v7;
	vm0 =	vlt.s32 v17, v7;
	v23 =	vld [tilespmem:s29+$0xFFFFFFE0]  }
0x23f: {  	vm8 =	vlt.s32 v18, v7;
	vm9 =	vlt.s32 v19, v7;
	vm7 =	vlt.s32 v22, v7  }
0x240: {  	vm10 =	vlt.s32 v21, v7;
	vm3 =	vge.s32 v10, v6;
	vm4 =	vge.s32 v11, v6  }
0x241: {  	vm5 =	vge.s32 v12, v6;
	vm12 =	vge.s32 v14, v6;
	vm11 =	vge.s32 v9, v6  }
.Ltmp15:
0x242: {  	vm13 =	vge.s32 v15, v6;
	vm6 =	vmand vm6, vm11;
	vm11 =	vge.s32 v13, v6;
	(pc) =	sbr.rel @p2 .LBB2_29-.Ltmp15, $4  }
0x243: {  	v9 =	vsel vm6, $0x1, v1;
	vm6 =	vmand vm10, vm11;
	vm10 =	vge.s32 v23, v6  }
0x244: {  	v8 =	vadd.s32 v9, v8;
	v9 =	vsel vm6, $0x1, v1;
	vm6 =	vmand vm7, vm10  }
0x245: {  	v8 =	vadd.s32 v9, v8;
	v9 =	vsel vm6, $0x1, v1;
	vm6 =	vmand vm8, vm13  }
0x246: {  	s29 =	sadd.s32 $0x80, s29;
	v8 =	vadd.s32 v9, v8;
	v9 =	vsel vm6, $0x1, v1;
	vm6 =	vmand vm9, vm12  }
.LBB2_30:
.Ltmp16:
0x247: {  	v8 =	vadd.s32 v9, v8;
	v9 =	vsel vm6, $0x1, v1;
	vm2 =	vmand vm2, vm5;
	(pc) =	sbr.rel .LBB2_22-.Ltmp16, $4  }
0x248: {  	vm1 =	vmand vm1, vm4;
	v8 =	vadd.s32 v9, v8;
	v9 =	vsel vm2, $0x1, v1  }
0x249: {  	vm0 =	vmand vm0, vm3;
	v8 =	vadd.s32 v9, v8;
	v9 =	vsel vm1, $0x1, v1  }
0x24a: {  	v8 =	vadd.s32 v9, v8;
	v9 =	vsel vm0, $0x1, v1  }
0x24b: {  	v8 =	vadd.s32 v9, v8  }
.LBB2_21:
0x24c: {  	v8 =	vimm.s32 $0x0  }
.LBB2_22:
.Ltmp17:
0x24d: {  	(pc) =	sbr.rel @p1 .LBB2_25-.Ltmp17, $1  }
0x24e: {  	_ =	sdelay $0x3  }
0x24f: {  	s0 =	smov.u32 s24;
	s1 =	smov.u32 s22  }
.LBB2_24:
0x250: {  	v9 =	vld [tilespmem:s0+$0x0];
	_ =	sdelay $0x1  }
0x251: {  	s3 =	sadd.s32 s1, s20;
	s1 =	sadd.s32 $0x1, s1  }
0x252: {  	p2 =	seq.s32 s1, $0x0  }
.Ltmp18:
0x253: {  	v10 =	vmov s3;
	(pc) =	sbr.rel @!p2 .LBB2_24-.Ltmp18, $4  }
0x254: {  	vm1 =	vlt.s32 v10, v7;
	vm0 =	vge.s32 v9, v6  }
0x255: {  	vm0 =	vmand vm1, vm0  }
0x256: {  	v9 =	vsel vm0, $0x1, v1  }
0x257: {  	s0 =	sadd.s32 $0x10, s0;
	v8 =	vadd.s32 v9, v8  }
.Ltmp19:
0x258: {  	_ = 	snop;
	(pc) =	sbr.rel .LBB2_25-.Ltmp19, $1  }
0x259: {  	_ =	sdelay $0x3  }
.LBB2_27:
0x25a: {  	_ =	sfence.sel $0x180000  }
0x25b: {  	[bflag:$0x0] =	sbarrier.arrive $0xFFFF  }
0x25c: {  	_ =	strace $0x90000047  }
0x25d: {  	s0 =	stileid.u32;
	[bflag:$0x2] =	sbarrier.arrive $0xFFFF  }
0x25e: {  	p0 =	sne.s32 s0, $0x0;
	s0 =	rddreg [dreg:$0x2]  }
0x25f: {  	s0 =	sadd.s32 @!p0 $0x100000, s0  }
0x260: {  	[sflag:s0] =	ssyncadd.tile.s32 @!p0 $0x1;
	_ =	shalt  }
.Lfunc_end2:
_tile_overlayer_lowered:
.L_overlay_start_2:
0x261: {  	(tag) =	ssettag $0x2  }
0x262: {  	s0 =	rddreg [dreg:$0x0];
	s2 =	stileid.u32  }
0x263: {  	s1 =	rddreg [dreg:$0x1];
	p0 =	sne.s32 s2, $0x0  }
0x264: {  	s3 =	rddreg [dreg:$0x2];
	[bflag:$0x3] =	sbarrier.arrive $0xFFFF;
	s2 =	simm.s32 @!p0 $0x1C04  }
0x265: {  	[timem:s3], [sflag:s2] =	dma.local @!p0 [hbm:s0], s1  }
0x266: {  	s0 =	simm.s32 @!p0 $0x4  }
0x267: {  	_ =	swait.ge @!p0 [sflag:s0], s1  }
0x268: {  	s1 =	ssub.s32 @!p0 $0x0, s1;
	[sflag:s0] =	ssyncset.done @!p0 $0x0  }
0x269: {  	[sflag:s0] =	ssyncadd.s32 @!p0 s1  }
0x26a: {  	[bflag:$0x3] =	sbarrier.arrive $0xFFFF  }
0x26b: {  	_ =	shalt  }

</sc_bundles>
